<compile_context>
chip_gen: v7x
topology: tpu7x:2x2x1
jax: 0.10.2.dev20260603
libtpu: 0.0.44.dev20260713+nightly
codegen_flags: <defaults>
</compile_context>

<pallas_src>
import functools

import jax
import jax.numpy as jnp
from jax import lax
from jax.experimental import pallas as pl
from jax.experimental.pallas import tpu as pltpu
from jax.experimental.pallas import tpu_sc as plsc

D = 256
K = 8192
B = 8
HW = 1024
N = B * HW
KT = 4096
NUM_KT = K // KT


def _argmin_body(x_ref, emb_ref, idx_ref, loss_ref,
                 run_min, run_idx, x2s):
    k = pl.program_id(0)
    embt = emb_ref[...]
    e2t = 0.5 * jnp.sum(embt * embt, axis=1, keepdims=True)

    for b in range(B):
        xb = x_ref[b]

        @pl.when(k == 0)
        def _():
            x2s[pl.ds(b, 1), :] = 0.5 * jnp.sum(xb * xb, axis=0,
                                                keepdims=True)

        s = jnp.dot(embt, xb, preferred_element_type=jnp.float32)
        d = (x2s[pl.ds(b, 1), :] + e2t) - s
        mv = jnp.min(d, axis=0, keepdims=True)
        mi = (jnp.argmin(d, axis=0).astype(jnp.int32)[None, :]
              + k * KT)

        @pl.when(k == 0)
        def _():
            run_min[pl.ds(b, 1), :] = mv
            run_idx[pl.ds(b, 1), :] = mi

        @pl.when(k > 0)
        def _():
            prev_min = run_min[pl.ds(b, 1), :]
            prev_idx = run_idx[pl.ds(b, 1), :]
            better = mv < prev_min
            run_min[pl.ds(b, 1), :] = jnp.where(better, mv, prev_min)
            run_idx[pl.ds(b, 1), :] = jnp.where(better, mi, prev_idx)

    @pl.when(k == NUM_KT - 1)
    def _():
        idx_ref[...] = run_idx[...]
        loss_ref[0:1, 0:1] = jnp.sum(run_min[...], keepdims=True)


_argmin_call = pl.pallas_call(
    _argmin_body,
    grid=(NUM_KT,),
    in_specs=[
        pl.BlockSpec((B, D, HW), lambda k: (0, 0, 0)),
        pl.BlockSpec((KT, D), lambda k: (k, 0)),
    ],
    out_specs=[
        pl.BlockSpec((B, HW), lambda k: (0, 0)),
        pl.BlockSpec((1, 1), lambda k: (0, 0)),
    ],
    out_shape=[
        jax.ShapeDtypeStruct((B, HW), jnp.int32),
        jax.ShapeDtypeStruct((1, 1), jnp.float32),
    ],
    scratch_shapes=[
        pltpu.VMEM((B, HW), jnp.float32),
        pltpu.VMEM((B, HW), jnp.int32),
        pltpu.VMEM((B, HW), jnp.float32),
    ],
)


def _gather(emb, idx):
    info = plsc.get_sparse_core_info()
    nw = info.num_cores * info.num_subcores
    bpw = N // nw
    half = bpw // 2
    mesh = plsc.VectorSubcoreMesh(core_axis_name="c", subcore_axis_name="s")

    @functools.partial(
        pl.kernel, mesh=mesh,
        out_type=jax.ShapeDtypeStruct((N, D), jnp.float32),
        scratch_types=[
            pltpu.VMEM((half,), jnp.int32),
            pltpu.VMEM((half,), jnp.int32),
            pltpu.VMEM((half, D), jnp.float32),
            pltpu.VMEM((half, D), jnp.float32),
            pltpu.SemaphoreType.DMA,
            pltpu.SemaphoreType.DMA,
            pltpu.SemaphoreType.DMA,
            pltpu.SemaphoreType.DMA,
        ],
    )
    def sc_gather(table_hbm, idx_hbm, out_hbm, idx0, idx1, rows0, rows1,
                  g0s, g1s, w0s, w1s):
        wid = lax.axis_index("s") * info.num_cores + lax.axis_index("c")
        base = wid * bpw
        pltpu.sync_copy(idx_hbm.at[pl.ds(base, half)], idx0)
        pltpu.sync_copy(idx_hbm.at[pl.ds(base + half, half)], idx1)
        g0 = pltpu.async_copy(table_hbm.at[idx0], rows0, g0s)
        g1 = pltpu.async_copy(table_hbm.at[idx1], rows1, g1s)
        g0.wait()
        w0 = pltpu.async_copy(rows0, out_hbm.at[pl.ds(base, half)], w0s)
        g1.wait()
        w1 = pltpu.async_copy(rows1, out_hbm.at[pl.ds(base + half, half)], w1s)
        w0.wait()
        w1.wait()

    return sc_gather(emb, idx)


def kernel(x, emb):
    x3 = x.reshape(B, D, HW)

    idx, losssum = _argmin_call(x3, emb)

    q = _gather(emb, idx.reshape(N))

    quantized = q.reshape(B, HW, D).transpose(0, 2, 1).reshape(x.shape)
    loss = 2.5 * losssum[0, 0] / (N * D)
    return (quantized, loss)

# --- scband reference (transcript-rebuilt; emitter-appended) ---
"""Pipeline reference for scband-vector-quantizer-10746008174849 (READ-ONLY COPY).

The authoritative reference and input builder live on the scoring server;
editing this copy changes nothing except your own understanding.
"""

import jax, jax.numpy as jnp
import numpy as np

EMBEDDING_DIM = 256
NUM_EMBEDDINGS = 8192
COMMITMENT_COST = 0.25


def setup_inputs(seed: int = 0) -> dict:
    key = jax.random.key(seed)
    k1, k2 = jax.random.split(key)
    x = jax.random.normal(k1, (8, 256, 32, 32), dtype=jnp.float32)
    emb = jax.random.normal(k2, (NUM_EMBEDDINGS, EMBEDDING_DIM), dtype=jnp.float32)
    return {"x": x, "emb": emb}


def reference(x, emb):
    # x: [B, C, H, W] -> [B, H, W, C]
    xp = jnp.transpose(x, (0, 2, 3, 1))
    flat_x = xp.reshape(-1, EMBEDDING_DIM)
    # squared L2 distances to every codebook entry
    distances = (jnp.sum(flat_x ** 2, axis=1, keepdims=True)
                 + jnp.sum(emb ** 2, axis=1)
                 - 2.0 * jnp.matmul(flat_x, emb.T))
    encoding_indices = jnp.argmin(distances, axis=1)
    quantized = jnp.take(emb, encoding_indices, axis=0)
    quantized = quantized.reshape(xp.shape)
    # training-mode losses
    q_latent_loss = jnp.mean((quantized - jax.lax.stop_gradient(xp)) ** 2)
    e_latent_loss = jnp.mean((xp - jax.lax.stop_gradient(quantized)) ** 2)
    loss = q_latent_loss + COMMITMENT_COST * e_latent_loss
    # straight-through estimator
    quantized = xp + jax.lax.stop_gradient(quantized - xp)
    quantized = jnp.transpose(quantized, (0, 3, 1, 2))
    return (quantized, loss)

if __name__ == "__main__":
    import jax
    _d = setup_inputs()
    print(jax.jit(kernel)(*tuple(_d.values())))

</pallas_src>

<mosaic_0001>
#map = affine_map<(d0, d1) -> (0, 0)>
#map1 = affine_map<(d0, d1) -> (0)>
module attributes {stable_mosaic.version = 14 : i64} {
  func.func @sc_gather(%arg0: i32, %arg1: i32, %arg2: memref<8192x256xf32, #tpu.memory_space<hbm>>, %arg3: memref<8192xi32, #tpu.memory_space<hbm>>, %arg4: memref<8192x256xf32, #tpu.memory_space<hbm>>, %arg5: memref<128xi32, #tpu.memory_space<vmem>>, %arg6: memref<128xi32, #tpu.memory_space<vmem>>, %arg7: memref<128x256xf32, #tpu.memory_space<vmem>>, %arg8: memref<128x256xf32, #tpu.memory_space<vmem>>, %arg9: memref<!tpu.dma_semaphore, #tpu.memory_space<semaphore_mem>>, %arg10: memref<!tpu.dma_semaphore, #tpu.memory_space<semaphore_mem>>, %arg11: memref<!tpu.dma_semaphore, #tpu.memory_space<semaphore_mem>>, %arg12: memref<!tpu.dma_semaphore, #tpu.memory_space<semaphore_mem>>) attributes {dimension_semantics = [#tpu.dimension_semantics<core_parallel>, #tpu.dimension_semantics<subcore_parallel>], iteration_bounds = array<i64: 2, 16>, scalar_prefetch = 0 : i64, scratch_operands = 8 : i64, tpu.core_type = #tpu.core_type<sc_vector_subcore>, window_params = [{transform_indices = #map}, {transform_indices = #map1}, {transform_indices = #map}]} {
    %mul3A = arith.constant 2 : i32
    %mul3A_0 = arith.muli %arg1, %mul3A : i32
    %add3A = arith.addi %mul3A_0, %arg0 : i32
    %mul3A_1 = arith.constant 256 : i32
    %mul3A_2 = arith.muli %add3A, %mul3A_1 : i32
    "tpu.region"() ({
      %run_scoped3A = tpu.sem_alloc : memref<!tpu.dma_semaphore, #tpu.memory_space<semaphore_mem>>
      %dma_start3A_33 = tpu.memref_slice %arg3[%mul3A_2] : memref<8192xi32, #tpu.memory_space<hbm>> -> memref<128xi32, #tpu.memory_space<hbm>>
      %dma_start3A_34 = tpu.memref_slice %arg3[%mul3A_2] : memref<8192xi32, #tpu.memory_space<hbm>> -> memref<128xi32, #tpu.memory_space<hbm>>
      tpu.enqueue_dma source(%dma_start3A_34 : memref<128xi32, #tpu.memory_space<hbm>>) target(%arg5 : memref<128xi32, #tpu.memory_space<vmem>>) target_semaphore(%run_scoped3A : memref<!tpu.dma_semaphore, #tpu.memory_space<semaphore_mem>>)
      %dma_wait3A_35 = tpu.memref_slice %arg3[%mul3A_2] : memref<8192xi32, #tpu.memory_space<hbm>> -> memref<128xi32, #tpu.memory_space<hbm>>
      %dma_wait3A_36 = tpu.memref_slice %arg3[%mul3A_2] : memref<8192xi32, #tpu.memory_space<hbm>> -> memref<128xi32, #tpu.memory_space<hbm>>
      tpu.wait_dma2 semaphore(%run_scoped3A : memref<!tpu.dma_semaphore, #tpu.memory_space<semaphore_mem>>) src(%dma_wait3A_36 : memref<128xi32, #tpu.memory_space<hbm>>) dst(%arg5 : memref<128xi32, #tpu.memory_space<vmem>>)
      tpu.yield
    }) : () -> ()
    %add3A_3 = arith.constant 128 : i32
    %add3A_4 = arith.addi %mul3A_2, %add3A_3 : i32
    "tpu.region"() ({
      %run_scoped3A = tpu.sem_alloc : memref<!tpu.dma_semaphore, #tpu.memory_space<semaphore_mem>>
      %dma_start3A_33 = tpu.memref_slice %arg3[%add3A_4] : memref<8192xi32, #tpu.memory_space<hbm>> -> memref<128xi32, #tpu.memory_space<hbm>>
      %dma_start3A_34 = tpu.memref_slice %arg3[%add3A_4] : memref<8192xi32, #tpu.memory_space<hbm>> -> memref<128xi32, #tpu.memory_space<hbm>>
      tpu.enqueue_dma source(%dma_start3A_34 : memref<128xi32, #tpu.memory_space<hbm>>) target(%arg6 : memref<128xi32, #tpu.memory_space<vmem>>) target_semaphore(%run_scoped3A : memref<!tpu.dma_semaphore, #tpu.memory_space<semaphore_mem>>)
      %dma_wait3A_35 = tpu.memref_slice %arg3[%add3A_4] : memref<8192xi32, #tpu.memory_space<hbm>> -> memref<128xi32, #tpu.memory_space<hbm>>
      %dma_wait3A_36 = tpu.memref_slice %arg3[%add3A_4] : memref<8192xi32, #tpu.memory_space<hbm>> -> memref<128xi32, #tpu.memory_space<hbm>>
      tpu.wait_dma2 semaphore(%run_scoped3A : memref<!tpu.dma_semaphore, #tpu.memory_space<semaphore_mem>>) src(%dma_wait3A_36 : memref<128xi32, #tpu.memory_space<hbm>>) dst(%arg6 : memref<128xi32, #tpu.memory_space<vmem>>)
      tpu.yield
    }) : () -> ()
    %dma_start3A = arith.constant 0 : i32
    %dma_start3A_5 = arith.constant 0 : i32
    %dma_start3A_6 = tpu.memref_slice %arg2[%dma_start3A, %dma_start3A_5] : memref<8192x256xf32, #tpu.memory_space<hbm>> -> memref<8192x256xf32, #tpu.memory_space<hbm>>
    tpu.enqueue_indirect_dma source(%dma_start3A_6 : memref<8192x256xf32, #tpu.memory_space<hbm>>) target(%arg7 : memref<128x256xf32, #tpu.memory_space<vmem>>) offsets(%arg5 : memref<128xi32, #tpu.memory_space<vmem>>) semaphore(%arg9 : memref<!tpu.dma_semaphore, #tpu.memory_space<semaphore_mem>>)
    %dma_start3A_7 = arith.constant 0 : i32
    %dma_start3A_8 = arith.constant 0 : i32
    %dma_start3A_9 = tpu.memref_slice %arg2[%dma_start3A_7, %dma_start3A_8] : memref<8192x256xf32, #tpu.memory_space<hbm>> -> memref<8192x256xf32, #tpu.memory_space<hbm>>
    tpu.enqueue_indirect_dma source(%dma_start3A_9 : memref<8192x256xf32, #tpu.memory_space<hbm>>) target(%arg8 : memref<128x256xf32, #tpu.memory_space<vmem>>) offsets(%arg6 : memref<128xi32, #tpu.memory_space<vmem>>) semaphore(%arg10 : memref<!tpu.dma_semaphore, #tpu.memory_space<semaphore_mem>>)
    %dma_wait3A = arith.constant 0 : i32
    %dma_wait3A_10 = arith.constant 0 : i32
    %dma_wait3A_11 = tpu.memref_slice %arg2[%dma_wait3A, %dma_wait3A_10] : memref<8192x256xf32, #tpu.memory_space<hbm>> -> memref<8192x256xf32, #tpu.memory_space<hbm>>
    tpu.wait_indirect_dma semaphore(%arg9 : memref<!tpu.dma_semaphore, #tpu.memory_space<semaphore_mem>>) src(%dma_wait3A_11 : memref<8192x256xf32, #tpu.memory_space<hbm>>) dst(%arg7 : memref<128x256xf32, #tpu.memory_space<vmem>>)
    %dma_start3A_12 = arith.constant 0 : i32
    %dma_start3A_13 = tpu.memref_slice %arg4[%mul3A_2, %dma_start3A_12] : memref<8192x256xf32, #tpu.memory_space<hbm>> -> memref<128x256xf32, #tpu.memory_space<hbm>>
    %dma_start3A_14 = arith.constant 0 : i32
    %dma_start3A_15 = tpu.memref_slice %arg4[%mul3A_2, %dma_start3A_14] : memref<8192x256xf32, #tpu.memory_space<hbm>> -> memref<128x256xf32, #tpu.memory_space<hbm>>
    tpu.enqueue_dma source(%arg7 : memref<128x256xf32, #tpu.memory_space<vmem>>) target(%dma_start3A_15 : memref<128x256xf32, #tpu.memory_space<hbm>>) target_semaphore(%arg11 : memref<!tpu.dma_semaphore, #tpu.memory_space<semaphore_mem>>)
    %dma_wait3A_16 = arith.constant 0 : i32
    %dma_wait3A_17 = arith.constant 0 : i32
    %dma_wait3A_18 = tpu.memref_slice %arg2[%dma_wait3A_16, %dma_wait3A_17] : memref<8192x256xf32, #tpu.memory_space<hbm>> -> memref<8192x256xf32, #tpu.memory_space<hbm>>
    tpu.wait_indirect_dma semaphore(%arg10 : memref<!tpu.dma_semaphore, #tpu.memory_space<semaphore_mem>>) src(%dma_wait3A_18 : memref<8192x256xf32, #tpu.memory_space<hbm>>) dst(%arg8 : memref<128x256xf32, #tpu.memory_space<vmem>>)
    %add3A_19 = arith.constant 128 : i32
    %add3A_20 = arith.addi %mul3A_2, %add3A_19 : i32
    %dma_start3A_21 = arith.constant 0 : i32
    %dma_start3A_22 = tpu.memref_slice %arg4[%add3A_20, %dma_start3A_21] : memref<8192x256xf32, #tpu.memory_space<hbm>> -> memref<128x256xf32, #tpu.memory_space<hbm>>
    %dma_start3A_23 = arith.constant 0 : i32
    %dma_start3A_24 = tpu.memref_slice %arg4[%add3A_20, %dma_start3A_23] : memref<8192x256xf32, #tpu.memory_space<hbm>> -> memref<128x256xf32, #tpu.memory_space<hbm>>
    tpu.enqueue_dma source(%arg8 : memref<128x256xf32, #tpu.memory_space<vmem>>) target(%dma_start3A_24 : memref<128x256xf32, #tpu.memory_space<hbm>>) target_semaphore(%arg12 : memref<!tpu.dma_semaphore, #tpu.memory_space<semaphore_mem>>)
    %dma_wait3A_25 = arith.constant 0 : i32
    %dma_wait3A_26 = tpu.memref_slice %arg4[%mul3A_2, %dma_wait3A_25] : memref<8192x256xf32, #tpu.memory_space<hbm>> -> memref<128x256xf32, #tpu.memory_space<hbm>>
    %dma_wait3A_27 = arith.constant 0 : i32
    %dma_wait3A_28 = tpu.memref_slice %arg4[%mul3A_2, %dma_wait3A_27] : memref<8192x256xf32, #tpu.memory_space<hbm>> -> memref<128x256xf32, #tpu.memory_space<hbm>>
    tpu.wait_dma2 semaphore(%arg11 : memref<!tpu.dma_semaphore, #tpu.memory_space<semaphore_mem>>) src(%arg7 : memref<128x256xf32, #tpu.memory_space<vmem>>) dst(%dma_wait3A_28 : memref<128x256xf32, #tpu.memory_space<hbm>>)
    %dma_wait3A_29 = arith.constant 0 : i32
    %dma_wait3A_30 = tpu.memref_slice %arg4[%add3A_20, %dma_wait3A_29] : memref<8192x256xf32, #tpu.memory_space<hbm>> -> memref<128x256xf32, #tpu.memory_space<hbm>>
    %dma_wait3A_31 = arith.constant 0 : i32
    %dma_wait3A_32 = tpu.memref_slice %arg4[%add3A_20, %dma_wait3A_31] : memref<8192x256xf32, #tpu.memory_space<hbm>> -> memref<128x256xf32, #tpu.memory_space<hbm>>
    tpu.wait_dma2 semaphore(%arg12 : memref<!tpu.dma_semaphore, #tpu.memory_space<semaphore_mem>>) src(%arg8 : memref<128x256xf32, #tpu.memory_space<vmem>>) dst(%dma_wait3A_32 : memref<128x256xf32, #tpu.memory_space<hbm>>)
    return
  }
}

module attributes {stable_mosaic.version = 14 : i64} {
  func.func @_argmin_body(%arg0: i32, %arg1: memref<8x256x1024xf32, #tpu.memory_space<vmem>>, %arg2: memref<4096x256xf32, #tpu.memory_space<vmem>>, %arg3: memref<8x1024xi32, #tpu.memory_space<vmem>>, %arg4: memref<1x1xf32, #tpu.memory_space<vmem>>, %arg5: memref<8x1024xf32, #tpu.memory_space<vmem>>, %arg6: memref<8x1024xi32, #tpu.memory_space<vmem>>, %arg7: memref<8x1024xf32, #tpu.memory_space<vmem>>) attributes {dimension_semantics = [#tpu.dimension_semantics<arbitrary>], iteration_bounds = array<i64: 2>, scalar_prefetch = 0 : i64, scratch_operands = 3 : i64, tpu.core_type = #tpu.core_type<tc>, window_params = [{pipeline_mode = #tpu.pipeline_mode<synchronous>, transform_indices = @transform_0, window_bounds = array<i64: 8, 256, 1024>}, {transform_indices = @transform_1, window_bounds = array<i64: 4096, 256>}, {pipeline_mode = #tpu.pipeline_mode<synchronous>, transform_indices = @transform_2, window_bounds = array<i64: 8, 1024>}, {pipeline_mode = #tpu.pipeline_mode<synchronous>, transform_indices = @transform_3, window_bounds = array<i64: 1, 1>}]} {
    %get3A = arith.constant 0 : index
    %get3A_0 = arith.constant 0 : index
    %get3A_1 = vector.load %arg2[%get3A, %get3A_0] : memref<4096x256xf32, #tpu.memory_space<vmem>>, vector<4096x256xf32>
    %mul3A = arith.mulf %get3A_1, %get3A_1 : vector<4096x256xf32>
    %reduce_sum3A = arith.constant dense<0.000000e+00> : vector<4096xf32>
    %reduce_sum3A_2 = vector.multi_reduction <add>, %mul3A, %reduce_sum3A [1] : vector<4096x256xf32> to vector<4096xf32>
    %broadcast_in_dim3A = vector.shape_cast %reduce_sum3A_2 : vector<4096xf32> to vector<4096x1xf32>
    %mul3A_3 = arith.constant 5.000000e-01 : f32
    %mul3A_4 = vector.broadcast %mul3A_3 : f32 to vector<4096x1xf32>
    %mul3A_5 = arith.mulf %mul3A_4, %broadcast_in_dim3A : vector<4096x1xf32>
    %get3A_6 = arith.constant 0 : index
    %get3A_7 = arith.constant 0 : index
    %get3A_8 = arith.constant 0 : index
    %get3A_9 = vector.load %arg1[%get3A_6, %get3A_7, %get3A_8] : memref<8x256x1024xf32, #tpu.memory_space<vmem>>, vector<1x256x1024xf32>
    %get3A_10 = vector.shape_cast %get3A_9 : vector<1x256x1024xf32> to vector<256x1024xf32>
    %eq3A = arith.constant 0 : i32
    %eq3A_11 = arith.cmpi eq, %arg0, %eq3A : i32
    %convert_element_type3A = arith.extui %eq3A_11 : i1 to i32
    %cond3A = arith.constant 0 : i32
    %cond3A_12 = arith.cmpi ne, %convert_element_type3A, %cond3A : i32
    scf.if %cond3A_12 {
      %mul3A_306 = arith.mulf %get3A_10, %get3A_10 : vector<256x1024xf32>
      %reduce_sum3A_307 = arith.constant dense<0.000000e+00> : vector<1024xf32>
      %reduce_sum3A_308 = vector.multi_reduction <add>, %mul3A_306, %reduce_sum3A_307 [0] : vector<256x1024xf32> to vector<1024xf32>
      %broadcast_in_dim3A_309 = vector.shape_cast %reduce_sum3A_308 : vector<1024xf32> to vector<1x1024xf32>
      %mul3A_310 = arith.constant 5.000000e-01 : f32
      %mul3A_311 = vector.broadcast %mul3A_310 : f32 to vector<1x1024xf32>
      %mul3A_312 = arith.mulf %mul3A_311, %broadcast_in_dim3A_309 : vector<1x1024xf32>
      %swap3A = arith.constant 0 : index
      %swap3A_313 = arith.constant 0 : index
      %swap3A_314 = vector.load %arg7[%swap3A, %swap3A_313] : memref<8x1024xf32, #tpu.memory_space<vmem>>, vector<1x1024xf32>
      tpu.vector_store %arg7[%swap3A, %swap3A_313], %mul3A_312 {strides = array<i32>} : memref<8x1024xf32, #tpu.memory_space<vmem>>, vector<1x1024xf32>,
    } else {
    }
    %dot_general3A = arith.constant dense<0.000000e+00> : vector<4096x1024xf32>
    %dot_general3A_13 = tpu.matmul %get3A_1, %get3A_10, %dot_general3A {dimension_numbers = #tpu.dot_dimension_numbers<[1], [0], [0], [1], [0, 0, 1, 1], [], []>, transpose_lhs_hint = false} : vector<4096x256xf32>, vector<256x1024xf32>, vector<4096x1024xf32> -> vector<4096x1024xf32>
    %get3A_14 = arith.constant 0 : index
    %get3A_15 = arith.constant 0 : index
    %get3A_16 = vector.load %arg7[%get3A_14, %get3A_15] : memref<8x1024xf32, #tpu.memory_space<vmem>>, vector<1x1024xf32>
    %add3A = vector.broadcast %get3A_16 : vector<1x1024xf32> to vector<4096x1024xf32>
    %add3A_17 = vector.broadcast %mul3A_5 : vector<4096x1xf32> to vector<4096x1024xf32>
    %add3A_18 = arith.addf %add3A, %add3A_17 : vector<4096x1024xf32>
    %sub3A = arith.subf %add3A_18, %dot_general3A_13 : vector<4096x1024xf32>
    %reduce_min3A = arith.constant dense<0x7F800000> : vector<1024xf32>
    %reduce_min3A_19 = vector.multi_reduction <minimumf>, %sub3A, %reduce_min3A [0] : vector<4096x1024xf32> to vector<1024xf32>
    %broadcast_in_dim3A_20 = vector.shape_cast %reduce_min3A_19 : vector<1024xf32> to vector<1x1024xf32>
    %argmin3A = tpu.reduce_index %sub3A {axis = 0 : i32, kind = #tpu.reduction_kind<arg_min>} : vector<4096x1024xf32> -> vector<1024xi32>
    %broadcast_in_dim3A_21 = vector.shape_cast %argmin3A : vector<1024xi32> to vector<1x1024xi32>
    %mul3A_22 = arith.constant 4096 : i32
    %mul3A_23 = arith.muli %arg0, %mul3A_22 : i32
    %add3A_24 = vector.broadcast %mul3A_23 : i32 to vector<1x1024xi32>
    %add3A_25 = arith.addi %broadcast_in_dim3A_21, %add3A_24 : vector<1x1024xi32>
    %eq3A_26 = arith.constant 0 : i32
    %eq3A_27 = arith.cmpi eq, %arg0, %eq3A_26 : i32
    %convert_element_type3A_28 = arith.extui %eq3A_27 : i1 to i32
    %cond3A_29 = arith.constant 0 : i32
    %cond3A_30 = arith.cmpi ne, %convert_element_type3A_28, %cond3A_29 : i32
    scf.if %cond3A_30 {
      %swap3A = arith.constant 0 : index
      %swap3A_306 = arith.constant 0 : index
      %swap3A_307 = vector.load %arg5[%swap3A, %swap3A_306] : memref<8x1024xf32, #tpu.memory_space<vmem>>, vector<1x1024xf32>
      tpu.vector_store %arg5[%swap3A, %swap3A_306], %broadcast_in_dim3A_20 {strides = array<i32>} : memref<8x1024xf32, #tpu.memory_space<vmem>>, vector<1x1024xf32>,
      %swap3A_308 = arith.constant 0 : index
      %swap3A_309 = arith.constant 0 : index
      %swap3A_310 = vector.load %arg6[%swap3A_308, %swap3A_309] : memref<8x1024xi32, #tpu.memory_space<vmem>>, vector<1x1024xi32>
      tpu.vector_store %arg6[%swap3A_308, %swap3A_309], %add3A_25 {strides = array<i32>} : memref<8x1024xi32, #tpu.memory_space<vmem>>, vector<1x1024xi32>,
    } else {
    }
    %gt3A = arith.constant 0 : i32
    %gt3A_31 = arith.cmpi sgt, %arg0, %gt3A : i32
    %convert_element_type3A_32 = arith.extui %gt3A_31 : i1 to i32
    %cond3A_33 = arith.constant 0 : i32
    %cond3A_34 = arith.cmpi ne, %convert_element_type3A_32, %cond3A_33 : i32
    scf.if %cond3A_34 {
      %get3A_306 = arith.constant 0 : index
      %get3A_307 = arith.constant 0 : index
      %get3A_308 = vector.load %arg5[%get3A_306, %get3A_307] : memref<8x1024xf32, #tpu.memory_space<vmem>>, vector<1x1024xf32>
      %get3A_309 = arith.constant 0 : index
      %get3A_310 = arith.constant 0 : index
      %get3A_311 = vector.load %arg6[%get3A_309, %get3A_310] : memref<8x1024xi32, #tpu.memory_space<vmem>>, vector<1x1024xi32>
      %lt3A = arith.cmpf olt, %broadcast_in_dim3A_20, %get3A_308 : vector<1x1024xf32>
      %select_n3A = arith.select %lt3A, %broadcast_in_dim3A_20, %get3A_308 : vector<1x1024xi1>, vector<1x1024xf32>
      %swap3A = arith.constant 0 : index
      %swap3A_312 = arith.constant 0 : index
      %swap3A_313 = vector.load %arg5[%swap3A, %swap3A_312] : memref<8x1024xf32, #tpu.memory_space<vmem>>, vector<1x1024xf32>
      tpu.vector_store %arg5[%swap3A, %swap3A_312], %select_n3A {strides = array<i32>} : memref<8x1024xf32, #tpu.memory_space<vmem>>, vector<1x1024xf32>,
      %select_n3A_314 = arith.select %lt3A, %add3A_25, %get3A_311 : vector<1x1024xi1>, vector<1x1024xi32>
      %swap3A_315 = arith.constant 0 : index
      %swap3A_316 = arith.constant 0 : index
      %swap3A_317 = vector.load %arg6[%swap3A_315, %swap3A_316] : memref<8x1024xi32, #tpu.memory_space<vmem>>, vector<1x1024xi32>
      tpu.vector_store %arg6[%swap3A_315, %swap3A_316], %select_n3A_314 {strides = array<i32>} : memref<8x1024xi32, #tpu.memory_space<vmem>>, vector<1x1024xi32>,
    } else {
    }
    %get3A_35 = arith.constant 1 : index
    %get3A_36 = arith.constant 0 : index
    %get3A_37 = arith.constant 0 : index
    %get3A_38 = vector.load %arg1[%get3A_35, %get3A_36, %get3A_37] : memref<8x256x1024xf32, #tpu.memory_space<vmem>>, vector<1x256x1024xf32>
    %get3A_39 = vector.shape_cast %get3A_38 : vector<1x256x1024xf32> to vector<256x1024xf32>
    %eq3A_40 = arith.constant 0 : i32
    %eq3A_41 = arith.cmpi eq, %arg0, %eq3A_40 : i32
    %convert_element_type3A_42 = arith.extui %eq3A_41 : i1 to i32
    %cond3A_43 = arith.constant 0 : i32
    %cond3A_44 = arith.cmpi ne, %convert_element_type3A_42, %cond3A_43 : i32
    scf.if %cond3A_44 {
      %mul3A_306 = arith.mulf %get3A_39, %get3A_39 : vector<256x1024xf32>
      %reduce_sum3A_307 = arith.constant dense<0.000000e+00> : vector<1024xf32>
      %reduce_sum3A_308 = vector.multi_reduction <add>, %mul3A_306, %reduce_sum3A_307 [0] : vector<256x1024xf32> to vector<1024xf32>
      %broadcast_in_dim3A_309 = vector.shape_cast %reduce_sum3A_308 : vector<1024xf32> to vector<1x1024xf32>
      %mul3A_310 = arith.constant 5.000000e-01 : f32
      %mul3A_311 = vector.broadcast %mul3A_310 : f32 to vector<1x1024xf32>
      %mul3A_312 = arith.mulf %mul3A_311, %broadcast_in_dim3A_309 : vector<1x1024xf32>
      %swap3A = arith.constant 1 : index
      %swap3A_313 = arith.constant 0 : index
      %swap3A_314 = vector.load %arg7[%swap3A, %swap3A_313] : memref<8x1024xf32, #tpu.memory_space<vmem>>, vector<1x1024xf32>
      tpu.vector_store %arg7[%swap3A, %swap3A_313], %mul3A_312 {strides = array<i32>} : memref<8x1024xf32, #tpu.memory_space<vmem>>, vector<1x1024xf32>,
    } else {
    }
    %dot_general3A_45 = arith.constant dense<0.000000e+00> : vector<4096x1024xf32>
    %dot_general3A_46 = tpu.matmul %get3A_1, %get3A_39, %dot_general3A_45 {dimension_numbers = #tpu.dot_dimension_numbers<[1], [0], [0], [1], [0, 0, 1, 1], [], []>, transpose_lhs_hint = false} : vector<4096x256xf32>, vector<256x1024xf32>, vector<4096x1024xf32> -> vector<4096x1024xf32>
    %get3A_47 = arith.constant 1 : index
    %get3A_48 = arith.constant 0 : index
    %get3A_49 = vector.load %arg7[%get3A_47, %get3A_48] : memref<8x1024xf32, #tpu.memory_space<vmem>>, vector<1x1024xf32>
    %add3A_50 = vector.broadcast %get3A_49 : vector<1x1024xf32> to vector<4096x1024xf32>
    %add3A_51 = vector.broadcast %mul3A_5 : vector<4096x1xf32> to vector<4096x1024xf32>
    %add3A_52 = arith.addf %add3A_50, %add3A_51 : vector<4096x1024xf32>
    %sub3A_53 = arith.subf %add3A_52, %dot_general3A_46 : vector<4096x1024xf32>
    %reduce_min3A_54 = arith.constant dense<0x7F800000> : vector<1024xf32>
    %reduce_min3A_55 = vector.multi_reduction <minimumf>, %sub3A_53, %reduce_min3A_54 [0] : vector<4096x1024xf32> to vector<1024xf32>
    %broadcast_in_dim3A_56 = vector.shape_cast %reduce_min3A_55 : vector<1024xf32> to vector<1x1024xf32>
    %argmin3A_57 = tpu.reduce_index %sub3A_53 {axis = 0 : i32, kind = #tpu.reduction_kind<arg_min>} : vector<4096x1024xf32> -> vector<1024xi32>
    %broadcast_in_dim3A_58 = vector.shape_cast %argmin3A_57 : vector<1024xi32> to vector<1x1024xi32>
    %mul3A_59 = arith.constant 4096 : i32
    %mul3A_60 = arith.muli %arg0, %mul3A_59 : i32
    %add3A_61 = vector.broadcast %mul3A_60 : i32 to vector<1x1024xi32>
    %add3A_62 = arith.addi %broadcast_in_dim3A_58, %add3A_61 : vector<1x1024xi32>
    %eq3A_63 = arith.constant 0 : i32
    %eq3A_64 = arith.cmpi eq, %arg0, %eq3A_63 : i32
    %convert_element_type3A_65 = arith.extui %eq3A_64 : i1 to i32
    %cond3A_66 = arith.constant 0 : i32
    %cond3A_67 = arith.cmpi ne, %convert_element_type3A_65, %cond3A_66 : i32
    scf.if %cond3A_67 {
      %swap3A = arith.constant 1 : index
      %swap3A_306 = arith.constant 0 : index
      %swap3A_307 = vector.load %arg5[%swap3A, %swap3A_306] : memref<8x1024xf32, #tpu.memory_space<vmem>>, vector<1x1024xf32>
      tpu.vector_store %arg5[%swap3A, %swap3A_306], %broadcast_in_dim3A_56 {strides = array<i32>} : memref<8x1024xf32, #tpu.memory_space<vmem>>, vector<1x1024xf32>,
      %swap3A_308 = arith.constant 1 : index
      %swap3A_309 = arith.constant 0 : index
      %swap3A_310 = vector.load %arg6[%swap3A_308, %swap3A_309] : memref<8x1024xi32, #tpu.memory_space<vmem>>, vector<1x1024xi32>
      tpu.vector_store %arg6[%swap3A_308, %swap3A_309], %add3A_62 {strides = array<i32>} : memref<8x1024xi32, #tpu.memory_space<vmem>>, vector<1x1024xi32>,
    } else {
    }
    %gt3A_68 = arith.constant 0 : i32
    %gt3A_69 = arith.cmpi sgt, %arg0, %gt3A_68 : i32
    %convert_element_type3A_70 = arith.extui %gt3A_69 : i1 to i32
    %cond3A_71 = arith.constant 0 : i32
    %cond3A_72 = arith.cmpi ne, %convert_element_type3A_70, %cond3A_71 : i32
    scf.if %cond3A_72 {
      %get3A_306 = arith.constant 1 : index
      %get3A_307 = arith.constant 0 : index
      %get3A_308 = vector.load %arg5[%get3A_306, %get3A_307] : memref<8x1024xf32, #tpu.memory_space<vmem>>, vector<1x1024xf32>
      %get3A_309 = arith.constant 1 : index
      %get3A_310 = arith.constant 0 : index
      %get3A_311 = vector.load %arg6[%get3A_309, %get3A_310] : memref<8x1024xi32, #tpu.memory_space<vmem>>, vector<1x1024xi32>
      %lt3A = arith.cmpf olt, %broadcast_in_dim3A_56, %get3A_308 : vector<1x1024xf32>
      %select_n3A = arith.select %lt3A, %broadcast_in_dim3A_56, %get3A_308 : vector<1x1024xi1>, vector<1x1024xf32>
      %swap3A = arith.constant 1 : index
      %swap3A_312 = arith.constant 0 : index
      %swap3A_313 = vector.load %arg5[%swap3A, %swap3A_312] : memref<8x1024xf32, #tpu.memory_space<vmem>>, vector<1x1024xf32>
      tpu.vector_store %arg5[%swap3A, %swap3A_312], %select_n3A {strides = array<i32>} : memref<8x1024xf32, #tpu.memory_space<vmem>>, vector<1x1024xf32>,
      %select_n3A_314 = arith.select %lt3A, %add3A_62, %get3A_311 : vector<1x1024xi1>, vector<1x1024xi32>
      %swap3A_315 = arith.constant 1 : index
      %swap3A_316 = arith.constant 0 : index
      %swap3A_317 = vector.load %arg6[%swap3A_315, %swap3A_316] : memref<8x1024xi32, #tpu.memory_space<vmem>>, vector<1x1024xi32>
      tpu.vector_store %arg6[%swap3A_315, %swap3A_316], %select_n3A_314 {strides = array<i32>} : memref<8x1024xi32, #tpu.memory_space<vmem>>, vector<1x1024xi32>,
    } else {
    }
    %get3A_73 = arith.constant 2 : index
    %get3A_74 = arith.constant 0 : index
    %get3A_75 = arith.constant 0 : index
    %get3A_76 = vector.load %arg1[%get3A_73, %get3A_74, %get3A_75] : memref<8x256x1024xf32, #tpu.memory_space<vmem>>, vector<1x256x1024xf32>
    %get3A_77 = vector.shape_cast %get3A_76 : vector<1x256x1024xf32> to vector<256x1024xf32>
    %eq3A_78 = arith.constant 0 : i32
    %eq3A_79 = arith.cmpi eq, %arg0, %eq3A_78 : i32
    %convert_element_type3A_80 = arith.extui %eq3A_79 : i1 to i32
    %cond3A_81 = arith.constant 0 : i32
    %cond3A_82 = arith.cmpi ne, %convert_element_type3A_80, %cond3A_81 : i32
    scf.if %cond3A_82 {
      %mul3A_306 = arith.mulf %get3A_77, %get3A_77 : vector<256x1024xf32>
      %reduce_sum3A_307 = arith.constant dense<0.000000e+00> : vector<1024xf32>
      %reduce_sum3A_308 = vector.multi_reduction <add>, %mul3A_306, %reduce_sum3A_307 [0] : vector<256x1024xf32> to vector<1024xf32>
      %broadcast_in_dim3A_309 = vector.shape_cast %reduce_sum3A_308 : vector<1024xf32> to vector<1x1024xf32>
      %mul3A_310 = arith.constant 5.000000e-01 : f32
      %mul3A_311 = vector.broadcast %mul3A_310 : f32 to vector<1x1024xf32>
      %mul3A_312 = arith.mulf %mul3A_311, %broadcast_in_dim3A_309 : vector<1x1024xf32>
      %swap3A = arith.constant 2 : index
      %swap3A_313 = arith.constant 0 : index
      %swap3A_314 = vector.load %arg7[%swap3A, %swap3A_313] : memref<8x1024xf32, #tpu.memory_space<vmem>>, vector<1x1024xf32>
      tpu.vector_store %arg7[%swap3A, %swap3A_313], %mul3A_312 {strides = array<i32>} : memref<8x1024xf32, #tpu.memory_space<vmem>>, vector<1x1024xf32>,
    } else {
    }
    %dot_general3A_83 = arith.constant dense<0.000000e+00> : vector<4096x1024xf32>
    %dot_general3A_84 = tpu.matmul %get3A_1, %get3A_77, %dot_general3A_83 {dimension_numbers = #tpu.dot_dimension_numbers<[1], [0], [0], [1], [0, 0, 1, 1], [], []>, transpose_lhs_hint = false} : vector<4096x256xf32>, vector<256x1024xf32>, vector<4096x1024xf32> -> vector<4096x1024xf32>
    %get3A_85 = arith.constant 2 : index
    %get3A_86 = arith.constant 0 : index
    %get3A_87 = vector.load %arg7[%get3A_85, %get3A_86] : memref<8x1024xf32, #tpu.memory_space<vmem>>, vector<1x1024xf32>
    %add3A_88 = vector.broadcast %get3A_87 : vector<1x1024xf32> to vector<4096x1024xf32>
    %add3A_89 = vector.broadcast %mul3A_5 : vector<4096x1xf32> to vector<4096x1024xf32>
    %add3A_90 = arith.addf %add3A_88, %add3A_89 : vector<4096x1024xf32>
    %sub3A_91 = arith.subf %add3A_90, %dot_general3A_84 : vector<4096x1024xf32>
    %reduce_min3A_92 = arith.constant dense<0x7F800000> : vector<1024xf32>
    %reduce_min3A_93 = vector.multi_reduction <minimumf>, %sub3A_91, %reduce_min3A_92 [0] : vector<4096x1024xf32> to vector<1024xf32>
    %broadcast_in_dim3A_94 = vector.shape_cast %reduce_min3A_93 : vector<1024xf32> to vector<1x1024xf32>
    %argmin3A_95 = tpu.reduce_index %sub3A_91 {axis = 0 : i32, kind = #tpu.reduction_kind<arg_min>} : vector<4096x1024xf32> -> vector<1024xi32>
    %broadcast_in_dim3A_96 = vector.shape_cast %argmin3A_95 : vector<1024xi32> to vector<1x1024xi32>
    %mul3A_97 = arith.constant 4096 : i32
    %mul3A_98 = arith.muli %arg0, %mul3A_97 : i32
    %add3A_99 = vector.broadcast %mul3A_98 : i32 to vector<1x1024xi32>
    %add3A_100 = arith.addi %broadcast_in_dim3A_96, %add3A_99 : vector<1x1024xi32>
    %eq3A_101 = arith.constant 0 : i32
    %eq3A_102 = arith.cmpi eq, %arg0, %eq3A_101 : i32
    %convert_element_type3A_103 = arith.extui %eq3A_102 : i1 to i32
    %cond3A_104 = arith.constant 0 : i32
    %cond3A_105 = arith.cmpi ne, %convert_element_type3A_103, %cond3A_104 : i32
    scf.if %cond3A_105 {
      %swap3A = arith.constant 2 : index
      %swap3A_306 = arith.constant 0 : index
      %swap3A_307 = vector.load %arg5[%swap3A, %swap3A_306] : memref<8x1024xf32, #tpu.memory_space<vmem>>, vector<1x1024xf32>
      tpu.vector_store %arg5[%swap3A, %swap3A_306], %broadcast_in_dim3A_94 {strides = array<i32>} : memref<8x1024xf32, #tpu.memory_space<vmem>>, vector<1x1024xf32>,
      %swap3A_308 = arith.constant 2 : index
      %swap3A_309 = arith.constant 0 : index
      %swap3A_310 = vector.load %arg6[%swap3A_308, %swap3A_309] : memref<8x1024xi32, #tpu.memory_space<vmem>>, vector<1x1024xi32>
      tpu.vector_store %arg6[%swap3A_308, %swap3A_309], %add3A_100 {strides = array<i32>} : memref<8x1024xi32, #tpu.memory_space<vmem>>, vector<1x1024xi32>,
    } else {
    }
    %gt3A_106 = arith.constant 0 : i32
    %gt3A_107 = arith.cmpi sgt, %arg0, %gt3A_106 : i32
    %convert_element_type3A_108 = arith.extui %gt3A_107 : i1 to i32
    %cond3A_109 = arith.constant 0 : i32
    %cond3A_110 = arith.cmpi ne, %convert_element_type3A_108, %cond3A_109 : i32
    scf.if %cond3A_110 {
      %get3A_306 = arith.constant 2 : index
      %get3A_307 = arith.constant 0 : index
      %get3A_308 = vector.load %arg5[%get3A_306, %get3A_307] : memref<8x1024xf32, #tpu.memory_space<vmem>>, vector<1x1024xf32>
      %get3A_309 = arith.constant 2 : index
      %get3A_310 = arith.constant 0 : index
      %get3A_311 = vector.load %arg6[%get3A_309, %get3A_310] : memref<8x1024xi32, #tpu.memory_space<vmem>>, vector<1x1024xi32>
      %lt3A = arith.cmpf olt, %broadcast_in_dim3A_94, %get3A_308 : vector<1x1024xf32>
      %select_n3A = arith.select %lt3A, %broadcast_in_dim3A_94, %get3A_308 : vector<1x1024xi1>, vector<1x1024xf32>
      %swap3A = arith.constant 2 : index
      %swap3A_312 = arith.constant 0 : index
      %swap3A_313 = vector.load %arg5[%swap3A, %swap3A_312] : memref<8x1024xf32, #tpu.memory_space<vmem>>, vector<1x1024xf32>
      tpu.vector_store %arg5[%swap3A, %swap3A_312], %select_n3A {strides = array<i32>} : memref<8x1024xf32, #tpu.memory_space<vmem>>, vector<1x1024xf32>,
      %select_n3A_314 = arith.select %lt3A, %add3A_100, %get3A_311 : vector<1x1024xi1>, vector<1x1024xi32>
      %swap3A_315 = arith.constant 2 : index
      %swap3A_316 = arith.constant 0 : index
      %swap3A_317 = vector.load %arg6[%swap3A_315, %swap3A_316] : memref<8x1024xi32, #tpu.memory_space<vmem>>, vector<1x1024xi32>
      tpu.vector_store %arg6[%swap3A_315, %swap3A_316], %select_n3A_314 {strides = array<i32>} : memref<8x1024xi32, #tpu.memory_space<vmem>>, vector<1x1024xi32>,
    } else {
    }
    %get3A_111 = arith.constant 3 : index
    %get3A_112 = arith.constant 0 : index
    %get3A_113 = arith.constant 0 : index
    %get3A_114 = vector.load %arg1[%get3A_111, %get3A_112, %get3A_113] : memref<8x256x1024xf32, #tpu.memory_space<vmem>>, vector<1x256x1024xf32>
    %get3A_115 = vector.shape_cast %get3A_114 : vector<1x256x1024xf32> to vector<256x1024xf32>
    %eq3A_116 = arith.constant 0 : i32
    %eq3A_117 = arith.cmpi eq, %arg0, %eq3A_116 : i32
    %convert_element_type3A_118 = arith.extui %eq3A_117 : i1 to i32
    %cond3A_119 = arith.constant 0 : i32
    %cond3A_120 = arith.cmpi ne, %convert_element_type3A_118, %cond3A_119 : i32
    scf.if %cond3A_120 {
      %mul3A_306 = arith.mulf %get3A_115, %get3A_115 : vector<256x1024xf32>
      %reduce_sum3A_307 = arith.constant dense<0.000000e+00> : vector<1024xf32>
      %reduce_sum3A_308 = vector.multi_reduction <add>, %mul3A_306, %reduce_sum3A_307 [0] : vector<256x1024xf32> to vector<1024xf32>
      %broadcast_in_dim3A_309 = vector.shape_cast %reduce_sum3A_308 : vector<1024xf32> to vector<1x1024xf32>
      %mul3A_310 = arith.constant 5.000000e-01 : f32
      %mul3A_311 = vector.broadcast %mul3A_310 : f32 to vector<1x1024xf32>
      %mul3A_312 = arith.mulf %mul3A_311, %broadcast_in_dim3A_309 : vector<1x1024xf32>
      %swap3A = arith.constant 3 : index
      %swap3A_313 = arith.constant 0 : index
      %swap3A_314 = vector.load %arg7[%swap3A, %swap3A_313] : memref<8x1024xf32, #tpu.memory_space<vmem>>, vector<1x1024xf32>
      tpu.vector_store %arg7[%swap3A, %swap3A_313], %mul3A_312 {strides = array<i32>} : memref<8x1024xf32, #tpu.memory_space<vmem>>, vector<1x1024xf32>,
    } else {
    }
    %dot_general3A_121 = arith.constant dense<0.000000e+00> : vector<4096x1024xf32>
    %dot_general3A_122 = tpu.matmul %get3A_1, %get3A_115, %dot_general3A_121 {dimension_numbers = #tpu.dot_dimension_numbers<[1], [0], [0], [1], [0, 0, 1, 1], [], []>, transpose_lhs_hint = false} : vector<4096x256xf32>, vector<256x1024xf32>, vector<4096x1024xf32> -> vector<4096x1024xf32>
    %get3A_123 = arith.constant 3 : index
    %get3A_124 = arith.constant 0 : index
    %get3A_125 = vector.load %arg7[%get3A_123, %get3A_124] : memref<8x1024xf32, #tpu.memory_space<vmem>>, vector<1x1024xf32>
    %add3A_126 = vector.broadcast %get3A_125 : vector<1x1024xf32> to vector<4096x1024xf32>
    %add3A_127 = vector.broadcast %mul3A_5 : vector<4096x1xf32> to vector<4096x1024xf32>
    %add3A_128 = arith.addf %add3A_126, %add3A_127 : vector<4096x1024xf32>
    %sub3A_129 = arith.subf %add3A_128, %dot_general3A_122 : vector<4096x1024xf32>
    %reduce_min3A_130 = arith.constant dense<0x7F800000> : vector<1024xf32>
    %reduce_min3A_131 = vector.multi_reduction <minimumf>, %sub3A_129, %reduce_min3A_130 [0] : vector<4096x1024xf32> to vector<1024xf32>
    %broadcast_in_dim3A_132 = vector.shape_cast %reduce_min3A_131 : vector<1024xf32> to vector<1x1024xf32>
    %argmin3A_133 = tpu.reduce_index %sub3A_129 {axis = 0 : i32, kind = #tpu.reduction_kind<arg_min>} : vector<4096x1024xf32> -> vector<1024xi32>
    %broadcast_in_dim3A_134 = vector.shape_cast %argmin3A_133 : vector<1024xi32> to vector<1x1024xi32>
    %mul3A_135 = arith.constant 4096 : i32
    %mul3A_136 = arith.muli %arg0, %mul3A_135 : i32
    %add3A_137 = vector.broadcast %mul3A_136 : i32 to vector<1x1024xi32>
    %add3A_138 = arith.addi %broadcast_in_dim3A_134, %add3A_137 : vector<1x1024xi32>
    %eq3A_139 = arith.constant 0 : i32
    %eq3A_140 = arith.cmpi eq, %arg0, %eq3A_139 : i32
    %convert_element_type3A_141 = arith.extui %eq3A_140 : i1 to i32
    %cond3A_142 = arith.constant 0 : i32
    %cond3A_143 = arith.cmpi ne, %convert_element_type3A_141, %cond3A_142 : i32
    scf.if %cond3A_143 {
      %swap3A = arith.constant 3 : index
      %swap3A_306 = arith.constant 0 : index
      %swap3A_307 = vector.load %arg5[%swap3A, %swap3A_306] : memref<8x1024xf32, #tpu.memory_space<vmem>>, vector<1x1024xf32>
      tpu.vector_store %arg5[%swap3A, %swap3A_306], %broadcast_in_dim3A_132 {strides = array<i32>} : memref<8x1024xf32, #tpu.memory_space<vmem>>, vector<1x1024xf32>,
      %swap3A_308 = arith.constant 3 : index
      %swap3A_309 = arith.constant 0 : index
      %swap3A_310 = vector.load %arg6[%swap3A_308, %swap3A_309] : memref<8x1024xi32, #tpu.memory_space<vmem>>, vector<1x1024xi32>
      tpu.vector_store %arg6[%swap3A_308, %swap3A_309], %add3A_138 {strides = array<i32>} : memref<8x1024xi32, #tpu.memory_space<vmem>>, vector<1x1024xi32>,
    } else {
    }
    %gt3A_144 = arith.constant 0 : i32
    %gt3A_145 = arith.cmpi sgt, %arg0, %gt3A_144 : i32
    %convert_element_type3A_146 = arith.extui %gt3A_145 : i1 to i32
    %cond3A_147 = arith.constant 0 : i32
    %cond3A_148 = arith.cmpi ne, %convert_element_type3A_146, %cond3A_147 : i32
    scf.if %cond3A_148 {
      %get3A_306 = arith.constant 3 : index
      %get3A_307 = arith.constant 0 : index
      %get3A_308 = vector.load %arg5[%get3A_306, %get3A_307] : memref<8x1024xf32, #tpu.memory_space<vmem>>, vector<1x1024xf32>
      %get3A_309 = arith.constant 3 : index
      %get3A_310 = arith.constant 0 : index
      %get3A_311 = vector.load %arg6[%get3A_309, %get3A_310] : memref<8x1024xi32, #tpu.memory_space<vmem>>, vector<1x1024xi32>
      %lt3A = arith.cmpf olt, %broadcast_in_dim3A_132, %get3A_308 : vector<1x1024xf32>
      %select_n3A = arith.select %lt3A, %broadcast_in_dim3A_132, %get3A_308 : vector<1x1024xi1>, vector<1x1024xf32>
      %swap3A = arith.constant 3 : index
      %swap3A_312 = arith.constant 0 : index
      %swap3A_313 = vector.load %arg5[%swap3A, %swap3A_312] : memref<8x1024xf32, #tpu.memory_space<vmem>>, vector<1x1024xf32>
      tpu.vector_store %arg5[%swap3A, %swap3A_312], %select_n3A {strides = array<i32>} : memref<8x1024xf32, #tpu.memory_space<vmem>>, vector<1x1024xf32>,
      %select_n3A_314 = arith.select %lt3A, %add3A_138, %get3A_311 : vector<1x1024xi1>, vector<1x1024xi32>
      %swap3A_315 = arith.constant 3 : index
      %swap3A_316 = arith.constant 0 : index
      %swap3A_317 = vector.load %arg6[%swap3A_315, %swap3A_316] : memref<8x1024xi32, #tpu.memory_space<vmem>>, vector<1x1024xi32>
      tpu.vector_store %arg6[%swap3A_315, %swap3A_316], %select_n3A_314 {strides = array<i32>} : memref<8x1024xi32, #tpu.memory_space<vmem>>, vector<1x1024xi32>,
    } else {
    }
    %get3A_149 = arith.constant 4 : index
    %get3A_150 = arith.constant 0 : index
    %get3A_151 = arith.constant 0 : index
    %get3A_152 = vector.load %arg1[%get3A_149, %get3A_150, %get3A_151] : memref<8x256x1024xf32, #tpu.memory_space<vmem>>, vector<1x256x1024xf32>
    %get3A_153 = vector.shape_cast %get3A_152 : vector<1x256x1024xf32> to vector<256x1024xf32>
    %eq3A_154 = arith.constant 0 : i32
    %eq3A_155 = arith.cmpi eq, %arg0, %eq3A_154 : i32
    %convert_element_type3A_156 = arith.extui %eq3A_155 : i1 to i32
    %cond3A_157 = arith.constant 0 : i32
    %cond3A_158 = arith.cmpi ne, %convert_element_type3A_156, %cond3A_157 : i32
    scf.if %cond3A_158 {
      %mul3A_306 = arith.mulf %get3A_153, %get3A_153 : vector<256x1024xf32>
      %reduce_sum3A_307 = arith.constant dense<0.000000e+00> : vector<1024xf32>
      %reduce_sum3A_308 = vector.multi_reduction <add>, %mul3A_306, %reduce_sum3A_307 [0] : vector<256x1024xf32> to vector<1024xf32>
      %broadcast_in_dim3A_309 = vector.shape_cast %reduce_sum3A_308 : vector<1024xf32> to vector<1x1024xf32>
      %mul3A_310 = arith.constant 5.000000e-01 : f32
      %mul3A_311 = vector.broadcast %mul3A_310 : f32 to vector<1x1024xf32>
      %mul3A_312 = arith.mulf %mul3A_311, %broadcast_in_dim3A_309 : vector<1x1024xf32>
      %swap3A = arith.constant 4 : index
      %swap3A_313 = arith.constant 0 : index
      %swap3A_314 = vector.load %arg7[%swap3A, %swap3A_313] : memref<8x1024xf32, #tpu.memory_space<vmem>>, vector<1x1024xf32>
      tpu.vector_store %arg7[%swap3A, %swap3A_313], %mul3A_312 {strides = array<i32>} : memref<8x1024xf32, #tpu.memory_space<vmem>>, vector<1x1024xf32>,
    } else {
    }
    %dot_general3A_159 = arith.constant dense<0.000000e+00> : vector<4096x1024xf32>
    %dot_general3A_160 = tpu.matmul %get3A_1, %get3A_153, %dot_general3A_159 {dimension_numbers = #tpu.dot_dimension_numbers<[1], [0], [0], [1], [0, 0, 1, 1], [], []>, transpose_lhs_hint = false} : vector<4096x256xf32>, vector<256x1024xf32>, vector<4096x1024xf32> -> vector<4096x1024xf32>
    %get3A_161 = arith.constant 4 : index
    %get3A_162 = arith.constant 0 : index
    %get3A_163 = vector.load %arg7[%get3A_161, %get3A_162] : memref<8x1024xf32, #tpu.memory_space<vmem>>, vector<1x1024xf32>
    %add3A_164 = vector.broadcast %get3A_163 : vector<1x1024xf32> to vector<4096x1024xf32>
    %add3A_165 = vector.broadcast %mul3A_5 : vector<4096x1xf32> to vector<4096x1024xf32>
    %add3A_166 = arith.addf %add3A_164, %add3A_165 : vector<4096x1024xf32>
    %sub3A_167 = arith.subf %add3A_166, %dot_general3A_160 : vector<4096x1024xf32>
    %reduce_min3A_168 = arith.constant dense<0x7F800000> : vector<1024xf32>
    %reduce_min3A_169 = vector.multi_reduction <minimumf>, %sub3A_167, %reduce_min3A_168 [0] : vector<4096x1024xf32> to vector<1024xf32>
    %broadcast_in_dim3A_170 = vector.shape_cast %reduce_min3A_169 : vector<1024xf32> to vector<1x1024xf32>
    %argmin3A_171 = tpu.reduce_index %sub3A_167 {axis = 0 : i32, kind = #tpu.reduction_kind<arg_min>} : vector<4096x1024xf32> -> vector<1024xi32>
    %broadcast_in_dim3A_172 = vector.shape_cast %argmin3A_171 : vector<1024xi32> to vector<1x1024xi32>
    %mul3A_173 = arith.constant 4096 : i32
    %mul3A_174 = arith.muli %arg0, %mul3A_173 : i32
    %add3A_175 = vector.broadcast %mul3A_174 : i32 to vector<1x1024xi32>
    %add3A_176 = arith.addi %broadcast_in_dim3A_172, %add3A_175 : vector<1x1024xi32>
    %eq3A_177 = arith.constant 0 : i32
    %eq3A_178 = arith.cmpi eq, %arg0, %eq3A_177 : i32
    %convert_element_type3A_179 = arith.extui %eq3A_178 : i1 to i32
    %cond3A_180 = arith.constant 0 : i32
    %cond3A_181 = arith.cmpi ne, %convert_element_type3A_179, %cond3A_180 : i32
    scf.if %cond3A_181 {
      %swap3A = arith.constant 4 : index
      %swap3A_306 = arith.constant 0 : index
      %swap3A_307 = vector.load %arg5[%swap3A, %swap3A_306] : memref<8x1024xf32, #tpu.memory_space<vmem>>, vector<1x1024xf32>
      tpu.vector_store %arg5[%swap3A, %swap3A_306], %broadcast_in_dim3A_170 {strides = array<i32>} : memref<8x1024xf32, #tpu.memory_space<vmem>>, vector<1x1024xf32>,
      %swap3A_308 = arith.constant 4 : index
      %swap3A_309 = arith.constant 0 : index
      %swap3A_310 = vector.load %arg6[%swap3A_308, %swap3A_309] : memref<8x1024xi32, #tpu.memory_space<vmem>>, vector<1x1024xi32>
      tpu.vector_store %arg6[%swap3A_308, %swap3A_309], %add3A_176 {strides = array<i32>} : memref<8x1024xi32, #tpu.memory_space<vmem>>, vector<1x1024xi32>,
    } else {
    }
    %gt3A_182 = arith.constant 0 : i32
    %gt3A_183 = arith.cmpi sgt, %arg0, %gt3A_182 : i32
    %convert_element_type3A_184 = arith.extui %gt3A_183 : i1 to i32
    %cond3A_185 = arith.constant 0 : i32
    %cond3A_186 = arith.cmpi ne, %convert_element_type3A_184, %cond3A_185 : i32
    scf.if %cond3A_186 {
      %get3A_306 = arith.constant 4 : index
      %get3A_307 = arith.constant 0 : index
      %get3A_308 = vector.load %arg5[%get3A_306, %get3A_307] : memref<8x1024xf32, #tpu.memory_space<vmem>>, vector<1x1024xf32>
      %get3A_309 = arith.constant 4 : index
      %get3A_310 = arith.constant 0 : index
      %get3A_311 = vector.load %arg6[%get3A_309, %get3A_310] : memref<8x1024xi32, #tpu.memory_space<vmem>>, vector<1x1024xi32>
      %lt3A = arith.cmpf olt, %broadcast_in_dim3A_170, %get3A_308 : vector<1x1024xf32>
      %select_n3A = arith.select %lt3A, %broadcast_in_dim3A_170, %get3A_308 : vector<1x1024xi1>, vector<1x1024xf32>
      %swap3A = arith.constant 4 : index
      %swap3A_312 = arith.constant 0 : index
      %swap3A_313 = vector.load %arg5[%swap3A, %swap3A_312] : memref<8x1024xf32, #tpu.memory_space<vmem>>, vector<1x1024xf32>
      tpu.vector_store %arg5[%swap3A, %swap3A_312], %select_n3A {strides = array<i32>} : memref<8x1024xf32, #tpu.memory_space<vmem>>, vector<1x1024xf32>,
      %select_n3A_314 = arith.select %lt3A, %add3A_176, %get3A_311 : vector<1x1024xi1>, vector<1x1024xi32>
      %swap3A_315 = arith.constant 4 : index
      %swap3A_316 = arith.constant 0 : index
      %swap3A_317 = vector.load %arg6[%swap3A_315, %swap3A_316] : memref<8x1024xi32, #tpu.memory_space<vmem>>, vector<1x1024xi32>
      tpu.vector_store %arg6[%swap3A_315, %swap3A_316], %select_n3A_314 {strides = array<i32>} : memref<8x1024xi32, #tpu.memory_space<vmem>>, vector<1x1024xi32>,
    } else {
    }
    %get3A_187 = arith.constant 5 : index
    %get3A_188 = arith.constant 0 : index
    %get3A_189 = arith.constant 0 : index
    %get3A_190 = vector.load %arg1[%get3A_187, %get3A_188, %get3A_189] : memref<8x256x1024xf32, #tpu.memory_space<vmem>>, vector<1x256x1024xf32>
    %get3A_191 = vector.shape_cast %get3A_190 : vector<1x256x1024xf32> to vector<256x1024xf32>
    %eq3A_192 = arith.constant 0 : i32
    %eq3A_193 = arith.cmpi eq, %arg0, %eq3A_192 : i32
    %convert_element_type3A_194 = arith.extui %eq3A_193 : i1 to i32
    %cond3A_195 = arith.constant 0 : i32
    %cond3A_196 = arith.cmpi ne, %convert_element_type3A_194, %cond3A_195 : i32
    scf.if %cond3A_196 {
      %mul3A_306 = arith.mulf %get3A_191, %get3A_191 : vector<256x1024xf32>
      %reduce_sum3A_307 = arith.constant dense<0.000000e+00> : vector<1024xf32>
      %reduce_sum3A_308 = vector.multi_reduction <add>, %mul3A_306, %reduce_sum3A_307 [0] : vector<256x1024xf32> to vector<1024xf32>
      %broadcast_in_dim3A_309 = vector.shape_cast %reduce_sum3A_308 : vector<1024xf32> to vector<1x1024xf32>
      %mul3A_310 = arith.constant 5.000000e-01 : f32
      %mul3A_311 = vector.broadcast %mul3A_310 : f32 to vector<1x1024xf32>
      %mul3A_312 = arith.mulf %mul3A_311, %broadcast_in_dim3A_309 : vector<1x1024xf32>
      %swap3A = arith.constant 5 : index
      %swap3A_313 = arith.constant 0 : index
      %swap3A_314 = vector.load %arg7[%swap3A, %swap3A_313] : memref<8x1024xf32, #tpu.memory_space<vmem>>, vector<1x1024xf32>
      tpu.vector_store %arg7[%swap3A, %swap3A_313], %mul3A_312 {strides = array<i32>} : memref<8x1024xf32, #tpu.memory_space<vmem>>, vector<1x1024xf32>,
    } else {
    }
    %dot_general3A_197 = arith.constant dense<0.000000e+00> : vector<4096x1024xf32>
    %dot_general3A_198 = tpu.matmul %get3A_1, %get3A_191, %dot_general3A_197 {dimension_numbers = #tpu.dot_dimension_numbers<[1], [0], [0], [1], [0, 0, 1, 1], [], []>, transpose_lhs_hint = false} : vector<4096x256xf32>, vector<256x1024xf32>, vector<4096x1024xf32> -> vector<4096x1024xf32>
    %get3A_199 = arith.constant 5 : index
    %get3A_200 = arith.constant 0 : index
    %get3A_201 = vector.load %arg7[%get3A_199, %get3A_200] : memref<8x1024xf32, #tpu.memory_space<vmem>>, vector<1x1024xf32>
    %add3A_202 = vector.broadcast %get3A_201 : vector<1x1024xf32> to vector<4096x1024xf32>
    %add3A_203 = vector.broadcast %mul3A_5 : vector<4096x1xf32> to vector<4096x1024xf32>
    %add3A_204 = arith.addf %add3A_202, %add3A_203 : vector<4096x1024xf32>
    %sub3A_205 = arith.subf %add3A_204, %dot_general3A_198 : vector<4096x1024xf32>
    %reduce_min3A_206 = arith.constant dense<0x7F800000> : vector<1024xf32>
    %reduce_min3A_207 = vector.multi_reduction <minimumf>, %sub3A_205, %reduce_min3A_206 [0] : vector<4096x1024xf32> to vector<1024xf32>
    %broadcast_in_dim3A_208 = vector.shape_cast %reduce_min3A_207 : vector<1024xf32> to vector<1x1024xf32>
    %argmin3A_209 = tpu.reduce_index %sub3A_205 {axis = 0 : i32, kind = #tpu.reduction_kind<arg_min>} : vector<4096x1024xf32> -> vector<1024xi32>
    %broadcast_in_dim3A_210 = vector.shape_cast %argmin3A_209 : vector<1024xi32> to vector<1x1024xi32>
    %mul3A_211 = arith.constant 4096 : i32
    %mul3A_212 = arith.muli %arg0, %mul3A_211 : i32
    %add3A_213 = vector.broadcast %mul3A_212 : i32 to vector<1x1024xi32>
    %add3A_214 = arith.addi %broadcast_in_dim3A_210, %add3A_213 : vector<1x1024xi32>
    %eq3A_215 = arith.constant 0 : i32
    %eq3A_216 = arith.cmpi eq, %arg0, %eq3A_215 : i32
    %convert_element_type3A_217 = arith.extui %eq3A_216 : i1 to i32
    %cond3A_218 = arith.constant 0 : i32
    %cond3A_219 = arith.cmpi ne, %convert_element_type3A_217, %cond3A_218 : i32
    scf.if %cond3A_219 {
      %swap3A = arith.constant 5 : index
      %swap3A_306 = arith.constant 0 : index
      %swap3A_307 = vector.load %arg5[%swap3A, %swap3A_306] : memref<8x1024xf32, #tpu.memory_space<vmem>>, vector<1x1024xf32>
      tpu.vector_store %arg5[%swap3A, %swap3A_306], %broadcast_in_dim3A_208 {strides = array<i32>} : memref<8x1024xf32, #tpu.memory_space<vmem>>, vector<1x1024xf32>,
      %swap3A_308 = arith.constant 5 : index
      %swap3A_309 = arith.constant 0 : index
      %swap3A_310 = vector.load %arg6[%swap3A_308, %swap3A_309] : memref<8x1024xi32, #tpu.memory_space<vmem>>, vector<1x1024xi32>
      tpu.vector_store %arg6[%swap3A_308, %swap3A_309], %add3A_214 {strides = array<i32>} : memref<8x1024xi32, #tpu.memory_space<vmem>>, vector<1x1024xi32>,
    } else {
    }
    %gt3A_220 = arith.constant 0 : i32
    %gt3A_221 = arith.cmpi sgt, %arg0, %gt3A_220 : i32
    %convert_element_type3A_222 = arith.extui %gt3A_221 : i1 to i32
    %cond3A_223 = arith.constant 0 : i32
    %cond3A_224 = arith.cmpi ne, %convert_element_type3A_222, %cond3A_223 : i32
    scf.if %cond3A_224 {
      %get3A_306 = arith.constant 5 : index
      %get3A_307 = arith.constant 0 : index
      %get3A_308 = vector.load %arg5[%get3A_306, %get3A_307] : memref<8x1024xf32, #tpu.memory_space<vmem>>, vector<1x1024xf32>
      %get3A_309 = arith.constant 5 : index
      %get3A_310 = arith.constant 0 : index
      %get3A_311 = vector.load %arg6[%get3A_309, %get3A_310] : memref<8x1024xi32, #tpu.memory_space<vmem>>, vector<1x1024xi32>
      %lt3A = arith.cmpf olt, %broadcast_in_dim3A_208, %get3A_308 : vector<1x1024xf32>
      %select_n3A = arith.select %lt3A, %broadcast_in_dim3A_208, %get3A_308 : vector<1x1024xi1>, vector<1x1024xf32>
      %swap3A = arith.constant 5 : index
      %swap3A_312 = arith.constant 0 : index
      %swap3A_313 = vector.load %arg5[%swap3A, %swap3A_312] : memref<8x1024xf32, #tpu.memory_space<vmem>>, vector<1x1024xf32>
      tpu.vector_store %arg5[%swap3A, %swap3A_312], %select_n3A {strides = array<i32>} : memref<8x1024xf32, #tpu.memory_space<vmem>>, vector<1x1024xf32>,
      %select_n3A_314 = arith.select %lt3A, %add3A_214, %get3A_311 : vector<1x1024xi1>, vector<1x1024xi32>
      %swap3A_315 = arith.constant 5 : index
      %swap3A_316 = arith.constant 0 : index
      %swap3A_317 = vector.load %arg6[%swap3A_315, %swap3A_316] : memref<8x1024xi32, #tpu.memory_space<vmem>>, vector<1x1024xi32>
      tpu.vector_store %arg6[%swap3A_315, %swap3A_316], %select_n3A_314 {strides = array<i32>} : memref<8x1024xi32, #tpu.memory_space<vmem>>, vector<1x1024xi32>,
    } else {
    }
    %get3A_225 = arith.constant 6 : index
    %get3A_226 = arith.constant 0 : index
    %get3A_227 = arith.constant 0 : index
    %get3A_228 = vector.load %arg1[%get3A_225, %get3A_226, %get3A_227] : memref<8x256x1024xf32, #tpu.memory_space<vmem>>, vector<1x256x1024xf32>
    %get3A_229 = vector.shape_cast %get3A_228 : vector<1x256x1024xf32> to vector<256x1024xf32>
    %eq3A_230 = arith.constant 0 : i32
    %eq3A_231 = arith.cmpi eq, %arg0, %eq3A_230 : i32
    %convert_element_type3A_232 = arith.extui %eq3A_231 : i1 to i32
    %cond3A_233 = arith.constant 0 : i32
    %cond3A_234 = arith.cmpi ne, %convert_element_type3A_232, %cond3A_233 : i32
    scf.if %cond3A_234 {
      %mul3A_306 = arith.mulf %get3A_229, %get3A_229 : vector<256x1024xf32>
      %reduce_sum3A_307 = arith.constant dense<0.000000e+00> : vector<1024xf32>
      %reduce_sum3A_308 = vector.multi_reduction <add>, %mul3A_306, %reduce_sum3A_307 [0] : vector<256x1024xf32> to vector<1024xf32>
      %broadcast_in_dim3A_309 = vector.shape_cast %reduce_sum3A_308 : vector<1024xf32> to vector<1x1024xf32>
      %mul3A_310 = arith.constant 5.000000e-01 : f32
      %mul3A_311 = vector.broadcast %mul3A_310 : f32 to vector<1x1024xf32>
      %mul3A_312 = arith.mulf %mul3A_311, %broadcast_in_dim3A_309 : vector<1x1024xf32>
      %swap3A = arith.constant 6 : index
      %swap3A_313 = arith.constant 0 : index
      %swap3A_314 = vector.load %arg7[%swap3A, %swap3A_313] : memref<8x1024xf32, #tpu.memory_space<vmem>>, vector<1x1024xf32>
      tpu.vector_store %arg7[%swap3A, %swap3A_313], %mul3A_312 {strides = array<i32>} : memref<8x1024xf32, #tpu.memory_space<vmem>>, vector<1x1024xf32>,
    } else {
    }
    %dot_general3A_235 = arith.constant dense<0.000000e+00> : vector<4096x1024xf32>
    %dot_general3A_236 = tpu.matmul %get3A_1, %get3A_229, %dot_general3A_235 {dimension_numbers = #tpu.dot_dimension_numbers<[1], [0], [0], [1], [0, 0, 1, 1], [], []>, transpose_lhs_hint = false} : vector<4096x256xf32>, vector<256x1024xf32>, vector<4096x1024xf32> -> vector<4096x1024xf32>
    %get3A_237 = arith.constant 6 : index
    %get3A_238 = arith.constant 0 : index
    %get3A_239 = vector.load %arg7[%get3A_237, %get3A_238] : memref<8x1024xf32, #tpu.memory_space<vmem>>, vector<1x1024xf32>
    %add3A_240 = vector.broadcast %get3A_239 : vector<1x1024xf32> to vector<4096x1024xf32>
    %add3A_241 = vector.broadcast %mul3A_5 : vector<4096x1xf32> to vector<4096x1024xf32>
    %add3A_242 = arith.addf %add3A_240, %add3A_241 : vector<4096x1024xf32>
    %sub3A_243 = arith.subf %add3A_242, %dot_general3A_236 : vector<4096x1024xf32>
    %reduce_min3A_244 = arith.constant dense<0x7F800000> : vector<1024xf32>
    %reduce_min3A_245 = vector.multi_reduction <minimumf>, %sub3A_243, %reduce_min3A_244 [0] : vector<4096x1024xf32> to vector<1024xf32>
    %broadcast_in_dim3A_246 = vector.shape_cast %reduce_min3A_245 : vector<1024xf32> to vector<1x1024xf32>
    %argmin3A_247 = tpu.reduce_index %sub3A_243 {axis = 0 : i32, kind = #tpu.reduction_kind<arg_min>} : vector<4096x1024xf32> -> vector<1024xi32>
    %broadcast_in_dim3A_248 = vector.shape_cast %argmin3A_247 : vector<1024xi32> to vector<1x1024xi32>
    %mul3A_249 = arith.constant 4096 : i32
    %mul3A_250 = arith.muli %arg0, %mul3A_249 : i32
    %add3A_251 = vector.broadcast %mul3A_250 : i32 to vector<1x1024xi32>
    %add3A_252 = arith.addi %broadcast_in_dim3A_248, %add3A_251 : vector<1x1024xi32>
    %eq3A_253 = arith.constant 0 : i32
    %eq3A_254 = arith.cmpi eq, %arg0, %eq3A_253 : i32
    %convert_element_type3A_255 = arith.extui %eq3A_254 : i1 to i32
    %cond3A_256 = arith.constant 0 : i32
    %cond3A_257 = arith.cmpi ne, %convert_element_type3A_255, %cond3A_256 : i32
    scf.if %cond3A_257 {
      %swap3A = arith.constant 6 : index
      %swap3A_306 = arith.constant 0 : index
      %swap3A_307 = vector.load %arg5[%swap3A, %swap3A_306] : memref<8x1024xf32, #tpu.memory_space<vmem>>, vector<1x1024xf32>
      tpu.vector_store %arg5[%swap3A, %swap3A_306], %broadcast_in_dim3A_246 {strides = array<i32>} : memref<8x1024xf32, #tpu.memory_space<vmem>>, vector<1x1024xf32>,
      %swap3A_308 = arith.constant 6 : index
      %swap3A_309 = arith.constant 0 : index
      %swap3A_310 = vector.load %arg6[%swap3A_308, %swap3A_309] : memref<8x1024xi32, #tpu.memory_space<vmem>>, vector<1x1024xi32>
      tpu.vector_store %arg6[%swap3A_308, %swap3A_309], %add3A_252 {strides = array<i32>} : memref<8x1024xi32, #tpu.memory_space<vmem>>, vector<1x1024xi32>,
    } else {
    }
    %gt3A_258 = arith.constant 0 : i32
    %gt3A_259 = arith.cmpi sgt, %arg0, %gt3A_258 : i32
    %convert_element_type3A_260 = arith.extui %gt3A_259 : i1 to i32
    %cond3A_261 = arith.constant 0 : i32
    %cond3A_262 = arith.cmpi ne, %convert_element_type3A_260, %cond3A_261 : i32
    scf.if %cond3A_262 {
      %get3A_306 = arith.constant 6 : index
      %get3A_307 = arith.constant 0 : index
      %get3A_308 = vector.load %arg5[%get3A_306, %get3A_307] : memref<8x1024xf32, #tpu.memory_space<vmem>>, vector<1x1024xf32>
      %get3A_309 = arith.constant 6 : index
      %get3A_310 = arith.constant 0 : index
      %get3A_311 = vector.load %arg6[%get3A_309, %get3A_310] : memref<8x1024xi32, #tpu.memory_space<vmem>>, vector<1x1024xi32>
      %lt3A = arith.cmpf olt, %broadcast_in_dim3A_246, %get3A_308 : vector<1x1024xf32>
      %select_n3A = arith.select %lt3A, %broadcast_in_dim3A_246, %get3A_308 : vector<1x1024xi1>, vector<1x1024xf32>
      %swap3A = arith.constant 6 : index
      %swap3A_312 = arith.constant 0 : index
      %swap3A_313 = vector.load %arg5[%swap3A, %swap3A_312] : memref<8x1024xf32, #tpu.memory_space<vmem>>, vector<1x1024xf32>
      tpu.vector_store %arg5[%swap3A, %swap3A_312], %select_n3A {strides = array<i32>} : memref<8x1024xf32, #tpu.memory_space<vmem>>, vector<1x1024xf32>,
      %select_n3A_314 = arith.select %lt3A, %add3A_252, %get3A_311 : vector<1x1024xi1>, vector<1x1024xi32>
      %swap3A_315 = arith.constant 6 : index
      %swap3A_316 = arith.constant 0 : index
      %swap3A_317 = vector.load %arg6[%swap3A_315, %swap3A_316] : memref<8x1024xi32, #tpu.memory_space<vmem>>, vector<1x1024xi32>
      tpu.vector_store %arg6[%swap3A_315, %swap3A_316], %select_n3A_314 {strides = array<i32>} : memref<8x1024xi32, #tpu.memory_space<vmem>>, vector<1x1024xi32>,
    } else {
    }
    %get3A_263 = arith.constant 7 : index
    %get3A_264 = arith.constant 0 : index
    %get3A_265 = arith.constant 0 : index
    %get3A_266 = vector.load %arg1[%get3A_263, %get3A_264, %get3A_265] : memref<8x256x1024xf32, #tpu.memory_space<vmem>>, vector<1x256x1024xf32>
    %get3A_267 = vector.shape_cast %get3A_266 : vector<1x256x1024xf32> to vector<256x1024xf32>
    %eq3A_268 = arith.constant 0 : i32
    %eq3A_269 = arith.cmpi eq, %arg0, %eq3A_268 : i32
    %convert_element_type3A_270 = arith.extui %eq3A_269 : i1 to i32
    %cond3A_271 = arith.constant 0 : i32
    %cond3A_272 = arith.cmpi ne, %convert_element_type3A_270, %cond3A_271 : i32
    scf.if %cond3A_272 {
      %mul3A_306 = arith.mulf %get3A_267, %get3A_267 : vector<256x1024xf32>
      %reduce_sum3A_307 = arith.constant dense<0.000000e+00> : vector<1024xf32>
      %reduce_sum3A_308 = vector.multi_reduction <add>, %mul3A_306, %reduce_sum3A_307 [0] : vector<256x1024xf32> to vector<1024xf32>
      %broadcast_in_dim3A_309 = vector.shape_cast %reduce_sum3A_308 : vector<1024xf32> to vector<1x1024xf32>
      %mul3A_310 = arith.constant 5.000000e-01 : f32
      %mul3A_311 = vector.broadcast %mul3A_310 : f32 to vector<1x1024xf32>
      %mul3A_312 = arith.mulf %mul3A_311, %broadcast_in_dim3A_309 : vector<1x1024xf32>
      %swap3A = arith.constant 7 : index
      %swap3A_313 = arith.constant 0 : index
      %swap3A_314 = vector.load %arg7[%swap3A, %swap3A_313] : memref<8x1024xf32, #tpu.memory_space<vmem>>, vector<1x1024xf32>
      tpu.vector_store %arg7[%swap3A, %swap3A_313], %mul3A_312 {strides = array<i32>} : memref<8x1024xf32, #tpu.memory_space<vmem>>, vector<1x1024xf32>,
    } else {
    }
    %dot_general3A_273 = arith.constant dense<0.000000e+00> : vector<4096x1024xf32>
    %dot_general3A_274 = tpu.matmul %get3A_1, %get3A_267, %dot_general3A_273 {dimension_numbers = #tpu.dot_dimension_numbers<[1], [0], [0], [1], [0, 0, 1, 1], [], []>, transpose_lhs_hint = false} : vector<4096x256xf32>, vector<256x1024xf32>, vector<4096x1024xf32> -> vector<4096x1024xf32>
    %get3A_275 = arith.constant 7 : index
    %get3A_276 = arith.constant 0 : index
    %get3A_277 = vector.load %arg7[%get3A_275, %get3A_276] : memref<8x1024xf32, #tpu.memory_space<vmem>>, vector<1x1024xf32>
    %add3A_278 = vector.broadcast %get3A_277 : vector<1x1024xf32> to vector<4096x1024xf32>
    %add3A_279 = vector.broadcast %mul3A_5 : vector<4096x1xf32> to vector<4096x1024xf32>
    %add3A_280 = arith.addf %add3A_278, %add3A_279 : vector<4096x1024xf32>
    %sub3A_281 = arith.subf %add3A_280, %dot_general3A_274 : vector<4096x1024xf32>
    %reduce_min3A_282 = arith.constant dense<0x7F800000> : vector<1024xf32>
    %reduce_min3A_283 = vector.multi_reduction <minimumf>, %sub3A_281, %reduce_min3A_282 [0] : vector<4096x1024xf32> to vector<1024xf32>
    %broadcast_in_dim3A_284 = vector.shape_cast %reduce_min3A_283 : vector<1024xf32> to vector<1x1024xf32>
    %argmin3A_285 = tpu.reduce_index %sub3A_281 {axis = 0 : i32, kind = #tpu.reduction_kind<arg_min>} : vector<4096x1024xf32> -> vector<1024xi32>
    %broadcast_in_dim3A_286 = vector.shape_cast %argmin3A_285 : vector<1024xi32> to vector<1x1024xi32>
    %mul3A_287 = arith.constant 4096 : i32
    %mul3A_288 = arith.muli %arg0, %mul3A_287 : i32
    %add3A_289 = vector.broadcast %mul3A_288 : i32 to vector<1x1024xi32>
    %add3A_290 = arith.addi %broadcast_in_dim3A_286, %add3A_289 : vector<1x1024xi32>
    %eq3A_291 = arith.constant 0 : i32
    %eq3A_292 = arith.cmpi eq, %arg0, %eq3A_291 : i32
    %convert_element_type3A_293 = arith.extui %eq3A_292 : i1 to i32
    %cond3A_294 = arith.constant 0 : i32
    %cond3A_295 = arith.cmpi ne, %convert_element_type3A_293, %cond3A_294 : i32
    scf.if %cond3A_295 {
      %swap3A = arith.constant 7 : index
      %swap3A_306 = arith.constant 0 : index
      %swap3A_307 = vector.load %arg5[%swap3A, %swap3A_306] : memref<8x1024xf32, #tpu.memory_space<vmem>>, vector<1x1024xf32>
      tpu.vector_store %arg5[%swap3A, %swap3A_306], %broadcast_in_dim3A_284 {strides = array<i32>} : memref<8x1024xf32, #tpu.memory_space<vmem>>, vector<1x1024xf32>,
      %swap3A_308 = arith.constant 7 : index
      %swap3A_309 = arith.constant 0 : index
      %swap3A_310 = vector.load %arg6[%swap3A_308, %swap3A_309] : memref<8x1024xi32, #tpu.memory_space<vmem>>, vector<1x1024xi32>
      tpu.vector_store %arg6[%swap3A_308, %swap3A_309], %add3A_290 {strides = array<i32>} : memref<8x1024xi32, #tpu.memory_space<vmem>>, vector<1x1024xi32>,
    } else {
    }
    %gt3A_296 = arith.constant 0 : i32
    %gt3A_297 = arith.cmpi sgt, %arg0, %gt3A_296 : i32
    %convert_element_type3A_298 = arith.extui %gt3A_297 : i1 to i32
    %cond3A_299 = arith.constant 0 : i32
    %cond3A_300 = arith.cmpi ne, %convert_element_type3A_298, %cond3A_299 : i32
    scf.if %cond3A_300 {
      %get3A_306 = arith.constant 7 : index
      %get3A_307 = arith.constant 0 : index
      %get3A_308 = vector.load %arg5[%get3A_306, %get3A_307] : memref<8x1024xf32, #tpu.memory_space<vmem>>, vector<1x1024xf32>
      %get3A_309 = arith.constant 7 : index
      %get3A_310 = arith.constant 0 : index
      %get3A_311 = vector.load %arg6[%get3A_309, %get3A_310] : memref<8x1024xi32, #tpu.memory_space<vmem>>, vector<1x1024xi32>
      %lt3A = arith.cmpf olt, %broadcast_in_dim3A_284, %get3A_308 : vector<1x1024xf32>
      %select_n3A = arith.select %lt3A, %broadcast_in_dim3A_284, %get3A_308 : vector<1x1024xi1>, vector<1x1024xf32>
      %swap3A = arith.constant 7 : index
      %swap3A_312 = arith.constant 0 : index
      %swap3A_313 = vector.load %arg5[%swap3A, %swap3A_312] : memref<8x1024xf32, #tpu.memory_space<vmem>>, vector<1x1024xf32>
      tpu.vector_store %arg5[%swap3A, %swap3A_312], %select_n3A {strides = array<i32>} : memref<8x1024xf32, #tpu.memory_space<vmem>>, vector<1x1024xf32>,
      %select_n3A_314 = arith.select %lt3A, %add3A_290, %get3A_311 : vector<1x1024xi1>, vector<1x1024xi32>
      %swap3A_315 = arith.constant 7 : index
      %swap3A_316 = arith.constant 0 : index
      %swap3A_317 = vector.load %arg6[%swap3A_315, %swap3A_316] : memref<8x1024xi32, #tpu.memory_space<vmem>>, vector<1x1024xi32>
      tpu.vector_store %arg6[%swap3A_315, %swap3A_316], %select_n3A_314 {strides = array<i32>} : memref<8x1024xi32, #tpu.memory_space<vmem>>, vector<1x1024xi32>,
    } else {
    }
    %eq3A_301 = arith.constant 1 : i32
    %eq3A_302 = arith.cmpi eq, %arg0, %eq3A_301 : i32
    %convert_element_type3A_303 = arith.extui %eq3A_302 : i1 to i32
    %cond3A_304 = arith.constant 0 : i32
    %cond3A_305 = arith.cmpi ne, %convert_element_type3A_303, %cond3A_304 : i32
    scf.if %cond3A_305 {
      %get3A_306 = arith.constant 0 : index
      %get3A_307 = arith.constant 0 : index
      %get3A_308 = vector.load %arg6[%get3A_306, %get3A_307] : memref<8x1024xi32, #tpu.memory_space<vmem>>, vector<8x1024xi32>
      %swap3A = arith.constant 0 : index
      %swap3A_309 = arith.constant 0 : index
      %swap3A_310 = vector.load %arg3[%swap3A, %swap3A_309] : memref<8x1024xi32, #tpu.memory_space<vmem>>, vector<8x1024xi32>
      tpu.vector_store %arg3[%swap3A, %swap3A_309], %get3A_308 {strides = array<i32>} : memref<8x1024xi32, #tpu.memory_space<vmem>>, vector<8x1024xi32>,
      %get3A_311 = arith.constant 0 : index
      %get3A_312 = arith.constant 0 : index
      %get3A_313 = vector.load %arg5[%get3A_311, %get3A_312] : memref<8x1024xf32, #tpu.memory_space<vmem>>, vector<8x1024xf32>
      %reduce_sum3A_314 = vector.shape_cast %get3A_313 : vector<8x1024xf32> to vector<1x8x1024xf32>
      %reduce_sum3A_315 = arith.constant dense<0.000000e+00> : vector<1xf32>
      %reduce_sum3A_316 = vector.multi_reduction <add>, %reduce_sum3A_314, %reduce_sum3A_315 [1, 2] : vector<1x8x1024xf32> to vector<1xf32>
      %reduce_sum3A_317 = vector.shape_cast %reduce_sum3A_316 : vector<1xf32> to vector<1x1x1xf32>
      %reduce_sum3A_318 = vector.extract %reduce_sum3A_317[0, 0, 0] : f32 from vector<1x1x1xf32>
      %broadcast_in_dim3A_319 = vector.broadcast %reduce_sum3A_318 : f32 to vector<1x1xf32>
      %swap3A_320 = arith.constant 0 : index
      %swap3A_321 = arith.constant 0 : index
      %swap3A_322 = vector.load %arg4[%swap3A_320, %swap3A_321] : memref<1x1xf32, #tpu.memory_space<vmem>>, vector<1x1xf32>
      tpu.vector_store %arg4[%swap3A_320, %swap3A_321], %broadcast_in_dim3A_319 {strides = array<i32>} : memref<1x1xf32, #tpu.memory_space<vmem>>, vector<1x1xf32>,
    } else {
    }
    return
  }
  func.func @transform_0(%arg0: i32) -> (i32, i32, i32) {
    %c0_i32 = arith.constant 0 : i32
    %c0_i32_0 = arith.constant 0 : i32
    %c0_i32_1 = arith.constant 0 : i32
    %c0_i32_2 = arith.constant 0 : i32
    return %c0_i32, %c0_i32_0, %c0_i32_1 : i32, i32, i32
  }
  func.func @transform_1(%arg0: i32) -> (i32, i32) {
    %c0_i32 = arith.constant 0 : i32
    %c0_i32_0 = arith.constant 0 : i32
    return %arg0, %c0_i32 : i32, i32
  }
  func.func @transform_2(%arg0: i32) -> (i32, i32) {
    %c0_i32 = arith.constant 0 : i32
    %c0_i32_0 = arith.constant 0 : i32
    %c0_i32_1 = arith.constant 0 : i32
    return %c0_i32, %c0_i32_0 : i32, i32
  }
  func.func @transform_3(%arg0: i32) -> (i32, i32) {
    %c0_i32 = arith.constant 0 : i32
    %c0_i32_0 = arith.constant 0 : i32
    %c0_i32_1 = arith.constant 0 : i32
    return %c0_i32, %c0_i32_0 : i32, i32
  }
}

</mosaic_0001>

<sc_bundles>
// kernel: kernel.4.cloned.1.call-start
scs
__scs_entry_jumppad:
0x0: {  	(pc) =	sbr.rel $0x88, $3  }
0x1: {  	(tag) =	ssettag $0x0;
	lr =	simm.s32 $0x1  }
0x2: {  	[smem:$0x3F9F] =	sst lr;
	_ =	strace $0xD0000000  }
0x3: {  	_ = 	snop  }
0x4: {  	_ = 	snop  }
0x5: {  	_ = 	snop  }
0x6: {  	_ = 	snop  }
0x7: {  	_ = 	snop  }
__scs_overlays_trampoline_lowered:
0x8: {  	[smem:$0x3FAE] =	sst s0  }
0x9: {  	[smem:$0x3FAF] =	sst s1  }
0xa: {  	[smem:$0x3FB0] =	sst s2  }
0xb: {  	[smem:$0x3FB1] =	sst s3  }
0xc: {  	[smem:$0x3FB2] =	sst s4  }
0xd: {  	[smem:$0x3FB3] =	sst s5  }
0xe: {  	[smem:$0x3FB4] =	sst s6  }
0xf: {  	[smem:$0x3FB5] =	sst s7  }
0x10: {  	[smem:$0x3FB6] =	sst s8  }
0x11: {  	[smem:$0x3FB7] =	sst s9;
	s0 =	simm.s32 @!p0 $0x0  }
0x12: {  	s1 =	sld [smem:$0x3F9D];
	s0 =	simm.s32 @p0 $0x1  }
0x13: {  	[smem:$0x3FB8] =	sst s0;
	s0 =	simm.s32 @!p1 $0x0  }
0x14: {  	s2 =	sld [smem:$0x3F9C];
	s0 =	simm.s32 @p1 $0x1  }
0x15: {  	[smem:$0x3FB9] =	sst s0;
	s0 =	simm.s32 @!p2 $0x0  }
0x16: {  	s3 =	sld [smem:$0x3FDB];
	s0 =	simm.s32 @p2 $0x1  }
0x17: {  	s4 =	simm.s32 $0x1BF5;
	[smem:$0x3FBB] =	sst s0  }
0x18: {  	s0 =	sld [smem:$0x3F9E];
	_ =	swait.ge [sflag:s4], $0x0  }
0x19: {  	s7 =	sld [smem:$0x3F9F]  }
0x1a: {  	s8 =	sadd.s32 $0xFFFFE003, lr  }
0x1b: {  	s9 =	sadd.s32 $0xFFFFFEF7, lr;
	s5 =	simm.s32 $0xFFFFFFFF;
	p2 =	slt.u32 s8, $0xFFFFF086  }
0x1c: {  	p1 =	slt.u32 s9, $0xF7A;
	s5 =	simm.s32 @!p2 $0x0  }
0x1d: {  	s5 =	simm.s32 @p1 $0x1;
	p0 =	seq.s32 s7, s2  }
0x1e: {  	s7 =	smul.u32 @!p0 $0xF7A, s2;
	p2 =	seq.s32 @!p0 s5, $0x0  }
0x1f: {  	s9 =	smul.u32 $0xF7A, s1;
	s8 =	simm.s32 @!p0 $0x1BF5;
	p2 =	por !p2, p0  }
0x20: {  	[sflag:s8] =	ssyncset.s32 @!p0 $0xFFFFF086;
	s6 =	sadd.s32 @!p0 s3, s7;
	s7 =	simm.s32 @!p0 $0x108  }
0x21: {  	s3 =	sadd.s32 s3, s9;
	s6 =	sadd.s32 @!p0 $0x88, s6;
	s7 =	simm.s32 @p2 $0x1082  }
0x22: {  	[simem:s7], [sflag:s8] =	dma.local @!p0 [hbm:s6], $0xF7A  }
0x23: {  	s9 =	sor.u32 $0xD0000000, s2;
	s6 =	simm.s32 $0x108;
	_ =	swait.ge @!p0 [sflag:s8], $0x0  }
0x24: {  	s3 =	sadd.s32 $0x88, s3;
	s6 =	simm.s32 @!p1 $0x1082;
	[sflag:s4] =	ssyncset.s32 $0xFFFFF086  }
0x25: {  	[simem:s6], [sflag:s4] =	dma.local [hbm:s3], $0xF7A  }
0x26: {  	[smem:$0x3F9F] =	sst s1;
	(tag) =	ssettag s2;
	_ =	strace s9  }
0x27: {  	s1 =	sld [smem:$0x3FAF]  }
0x28: {  	s2 =	sld [smem:$0x3FB0]  }
0x29: {  	s4 =	sld [smem:$0x3FB2]  }
0x2a: {  	p0 =	seq.s32 s5, $0x0;
	s5 =	sld [smem:$0x3FB3]  }
0x2b: {  	s6 =	sld [smem:$0x3FB4]  }
0x2c: {  	s7 =	sld [smem:$0x3FB5]  }
0x2d: {  	s3 =	simm.s32 $0x108;
	s8 =	sld [smem:$0x3FB6]  }
0x2e: {  	s3 =	simm.s32 @!p0 $0x1082;
	s9 =	sld [smem:$0x3FB7]  }
0x2f: {  	lr =	sadd.s32 s0, s3;
	s0 =	sld [smem:$0x3FAE]  }
0x30: {  	s3 =	sld [smem:$0x3FB1]  }
0x31: {  	[smem:$0x3FBA] =	sst s10  }
0x32: {  	s10 =	sld [smem:$0x3FB8];
	_ =	sdelay $0x3  }
0x33: {  	p0 =	seq.s32 s10, $0x1;
	s10 =	sld [smem:$0x3FBA];
	_ =	sdelay $0x3  }
0x34: {  	[smem:$0x3FBA] =	sst s10  }
0x35: {  	s10 =	sld [smem:$0x3FB9];
	_ =	sdelay $0x3  }
0x36: {  	p1 =	seq.s32 s10, $0x1;
	s10 =	sld [smem:$0x3FBA];
	_ =	sdelay $0x3  }
0x37: {  	[smem:$0x3FBA] =	sst s10  }
0x38: {  	s10 =	sld [smem:$0x3FBB]  }
0x39: {  	_ = 	snop;
	(pc) =	sbr.ind lr, $3  }
0x3a: {  	_ = 	snop  }
0x3b: {  	_ = 	snop  }
0x3c: {  	p2 =	seq.s32 s10, $0x1;
	s10 =	sld [smem:$0x3FBA]  }
0x3d: {  	_ =	shalt  }
0x3e: {  	_ =	shalt  }
0x3f: {  	_ =	shalt  }
0x40: {  	_ =	shalt  }
0x41: {  	_ =	shalt  }
0x42: {  	_ =	shalt  }
0x43: {  	_ =	shalt  }
0x44: {  	_ =	shalt  }
0x45: {  	_ =	shalt  }
0x46: {  	_ =	shalt  }
0x47: {  	_ =	shalt  }
0x48: {  	_ =	shalt  }
0x49: {  	_ =	shalt  }
0x4a: {  	_ =	shalt  }
0x4b: {  	_ =	shalt  }
0x4c: {  	_ =	shalt  }
0x4d: {  	_ =	shalt  }
0x4e: {  	_ =	shalt  }
0x4f: {  	_ =	shalt  }
0x50: {  	_ =	shalt  }
0x51: {  	_ =	shalt  }
0x52: {  	_ =	shalt  }
0x53: {  	_ =	shalt  }
0x54: {  	_ =	shalt  }
0x55: {  	_ =	shalt  }
0x56: {  	_ =	shalt  }
0x57: {  	_ =	shalt  }
0x58: {  	_ =	shalt  }
0x59: {  	_ =	shalt  }
0x5a: {  	_ =	shalt  }
0x5b: {  	_ =	shalt  }
0x5c: {  	_ =	shalt  }
0x5d: {  	_ =	shalt  }
0x5e: {  	_ =	shalt  }
0x5f: {  	_ =	shalt  }
0x60: {  	_ =	shalt  }
0x61: {  	_ =	shalt  }
0x62: {  	_ =	shalt  }
0x63: {  	_ =	shalt  }
0x64: {  	_ =	shalt  }
0x65: {  	_ =	shalt  }
0x66: {  	_ =	shalt  }
0x67: {  	_ =	shalt  }
0x68: {  	_ =	shalt  }
0x69: {  	_ =	shalt  }
0x6a: {  	_ =	shalt  }
0x6b: {  	_ =	shalt  }
0x6c: {  	_ =	shalt  }
0x6d: {  	_ =	shalt  }
0x6e: {  	_ =	shalt  }
0x6f: {  	_ =	shalt  }
0x70: {  	_ =	shalt  }
0x71: {  	_ =	shalt  }
0x72: {  	_ =	shalt  }
0x73: {  	_ =	shalt  }
0x74: {  	_ =	shalt  }
0x75: {  	_ =	shalt  }
0x76: {  	_ =	shalt  }
0x77: {  	_ =	shalt  }
0x78: {  	_ =	shalt  }
0x79: {  	_ =	shalt  }
0x7a: {  	_ =	shalt  }
0x7b: {  	_ =	shalt  }
0x7c: {  	_ =	shalt  }
0x7d: {  	_ =	shalt  }
0x7e: {  	_ =	shalt  }
0x7f: {  	_ =	shalt  }
0x80: {  	_ =	shalt  }
0x81: {  	_ =	shalt  }
0x82: {  	_ =	shalt  }
0x83: {  	_ =	shalt  }
0x84: {  	_ =	shalt  }
0x85: {  	_ =	shalt  }
0x86: {  	_ =	shalt  }
0x87: {  	_ =	shalt  }
.Lfunc_end0:
.L_simem_size_0:
called_computation_lowered:
.L_overlay_start_0:
0x88: {  	s2 =	sld [smem:$0x3FD9]  }
0x89: {  	s3 =	sld [smem:$0x3FFE];
	_ =	sdelay $0x1  }
0x8a: {  	s1 =	srdreg.scid  }
0x8b: {  	s0 =	sand.u32 $0x1, s1  }
0x8c: {  	s14 =	sshll.u32 s0, $0xA;
	s2 =	sadd.s32 s3, s2  }
0x8d: {  	s2 =	sadd.s32 s2, s14  }
0x8e: {  	[smem:$0x3FC6] =	sst s2  }
0x8f: {  	_ = 	snop  }
0x90: {  	s2 =	sld [smem:$0x3FD0];
	_ =	sdelay $0x2  }
0x91: {  	s4 =	simm.s32 $0xA;
	s5 =	simm.s32 $0x10;
	s15 =	sld [smem:$0x3FC8]  }
0x92: {  	[smem:s5], [sflag:s4] =	dma.local [hbm:s2], $0x1  }
0x93: {  	_ =	swait.eq [sflag:s4], $0x1  }
0x94: {  	[sflag:s4] =	ssyncset.done $0x0  }
0x95: {  	[sflag:s4] =	ssyncadd.s32 $0xFFFFFFFF  }
0x96: {  	s16 =	sld [smem:$0x10];
	(tm) =	ssettm $0x1  }
0x97: {  	s17 =	sld [smem:$0x3FFB];
	_ =	sdelay $0x3  }
0x98: {  	_ =	strace s17  }
0x99: {  	s4 =	sld [smem:$0x3FFC];
	_ =	sdelay $0x3  }
0x9a: {  	_ =	strace s4  }
0x9b: {  	s4 =	sld [smem:$0x3FFD];
	_ =	sdelay $0x3  }
0x9c: {  	_ =	strace s4  }
0x9d: {  	_ =	strace $0x8FFFFFFF  }
0x9e: {  	s18 =	sld [smem:$0x3FDB];
	_ =	sdelay $0x1  }
0x9f: {  	s19 =	simm.s32 $_scs_section_size  }
0xa0: {  	s6 =	simm.s32 $_size__tile_overlayer_lowered;
	s7 =	simm.s32 $_tile_overlayer_lowered  }
0xa1: {  	s22 =	simm.s32 $0x1BFF;
	s21 =	sshll.u32 s7, $0x1;
	s4 =	sadd.s32 s19, s18  }
0xa2: {  	s8 =	simm.s32 $0x0;
	s20 =	sshll.u32 s6, $0x1;
	s6 =	sadd.s32 s21, s4  }
0xa3: {  	[timem:s8], [sflag:s22] =	dma.local [hbm:s6], s20  }
0xa4: {  	_ =	swait.ge [sflag:s22], s20  }
0xa5: {  	s5 =	ssub.s32 $0x0, s20;
	[sflag:s22] =	ssyncset.done $0x0  }
0xa6: {  	[sflag:s22] =	ssyncadd.s32 s5;
	_ =	sdelay $0x1  }
0xa7: {  	s23 =	simm.s32 $0x1B8B  }
0xa8: {  	_ =	swait.ge [sflag:s23], $0x1  }
0xa9: {  	[sflag:s23] =	ssyncset.done $0x0  }
0xaa: {  	s25 =	simm.s32 $0x1B8E;
	s24 =	sld [smem:$0x3FFE];
	[sflag:s23] =	ssyncadd.s32 $0xFFFFFFFF  }
0xab: {  	s26 =	simm.s32 $execute0_lowered;
	[smem:$0x3FD2] =	sst s25  }
0xac: {  	s6 =	sshll.u32 s26, $0x1;
	_ =	strace $0x80000046;
	[dreg:$0x1] =	wrdreg $0xFFFFFFFF  }
0xad: {  	s28 =	simm.s32 $_size_execute0_lowered;
	s4 =	sadd.s32 s4, s6;
	[dreg:$0x0] =	wrdreg $0x0  }
0xae: {  	s6 =	sshll.u32 s28, $0x1;
	[dreg:$0x2] =	wrdreg s4  }
0xaf: {  	[dreg:$0x3] =	wrdreg s6  }
0xb0: {  	[dreg:$0x4] =	wrdreg $0xC0  }
0xb1: {  	_ =	task [dreg:s8], $0x5FFFF  }
0xb2: {  	[dreg:$0x1] =	wrdreg $0xFFFFFFFF  }
0xb3: {  	[dreg:$0x0] =	wrdreg $0x60  }
0xb4: {  	[dreg:$0x2] =	wrdreg s15  }
0xb5: {  	[dreg:$0x3] =	wrdreg s24  }
0xb6: {  	[dreg:$0x4] =	wrdreg s16  }
0xb7: {  	[dreg:$0x5] =	wrdreg $0x9  }
0xb8: {  	_ =	task.clear_ibuf [dreg:s8], $0x6FFFF;
	_ =	strace $0x90000046  }
0xb9: {  	s29 =	simm.s32 $0x9;
	_ =	strace $0x80000048  }
0xba: {  	_ =	swait.ge [sflag:s29], $0x1  }
0xbb: {  	[sflag:s29] =	ssyncadd.s32 $0xFFFFFFFF  }
0xbc: {  	_ =	strace $0x90000048  }
0xbd: {  	_ =	sfence  }
0xbe: {  	s30 =	sld [smem:$0x0];
	_ =	sdelay $0x2  }
0xbf: {  	s31 =	sshll.u32 s1, $0xD;
	s1 =	sshrl.u32 s1, $0x2  }
0xc0: {  	s3 =	sand.u32 $0x4000, s31;
	s1 =	sadd.s32 s1, s30  }
0xc1: {  	s0 =	sor.u32 s3, s0;
	s1 =	sshll.u32 s1, $0x11  }
0xc2: {  	s0 =	sor.u32 s1, s0  }
0xc3: {  	s0 =	sadd.s32 $0x8F2B, s0  }
0xc4: {  	[sflag:s0] =	ssyncadd.remote.s32 $0x1  }
0xc5: {  	_ =	sfence.sel $0xFFFF  }
0xc6: {  	[dreg:$0x0] =	wrdreg $0xFFFFFFFF;
	(pc) =	sbr.abs _section_cstart, $3  }
0xc7: {  	[dreg:$0x1] =	wrdreg $0xFFFFFFFF  }
0xc8: {  	_ =	task.clear_ibuf [dreg:s8], $0x2FFFF;
	_ =	strace $0x9FFFFFFF  }
0xc9: {  	(tm) =	ssettm $0x7FFFFFFF  }
tec
execute0_lowered:
.L_overlay_start_1:
0x0: {  	(tag) =	ssettag $0x1  }
0x1: {  	s1 =	rddreg [dreg:$0x0]  }
0x2: {  	s0 =	rddreg [dreg:$0x1]  }
0x3: {  	s4 =	rddreg [dreg:$0x2]  }
0x4: {  	s3 =	srdreg.scid;
	s2 =	stileid.u32;
	s15 =	simm.s32 $0x80  }
0x5: {  	s16 =	simm.s32 $0x900;
	s5 =	sand.u32 $0x1, s3;
	s3 =	simm.s32 $0x0  }
0x6: {  	s17 =	simm.s32 $0x1100;
	s18 =	simm.s32 $0x1900;
	[smem:$0x7FF] =	sst s3  }
0x7: {  	s19 =	simm.s32 $0x2100;
	_ =	strace $0x80000047;
	[dreg:$0x8] =	wrdreg s15  }
0x8: {  	s20 =	simm.s32 $0x2900;
	s22 =	simm.s32 $0x3100;
	[dreg:$0x9] =	wrdreg s16  }
0x9: {  	s23 =	simm.s32 $0x3900;
	s24 =	simm.s32 $0x4100;
	[dreg:$0xa] =	wrdreg s17  }
0xa: {  	s25 =	simm.s32 $0x4900;
	s26 =	simm.s32 $0x5100;
	[dreg:$0xb] =	wrdreg s18  }
0xb: {  	s10 =	simm.s32 $0x7100;
	s11 =	simm.s32 $0x7900;
	[dreg:$0xc] =	wrdreg s19  }
0xc: {  	s28 =	simm.s32 $0xF900;
	s29 =	simm.s32 $0x1;
	[dreg:$0xd] =	wrdreg s20  }
0xd: {  	s30 =	simm.s32 $0x2;
	s31 =	simm.s32 $0x3;
	[dreg:$0xe] =	wrdreg s22  }
0xe: {  	s6 =	sshll.u32 s2, $0x9;
	s0 =	sadd.s32 $0x800, s0;
	[dreg:$0xf] =	wrdreg s23  }
0xf: {  	s7 =	sshll.u32 s5, $0x8;
	s21 =	ssub.s32 $0x2, s5;
	[dreg:$0x10] =	wrdreg s24  }
0x10: {  	s6 =	sor.u32 s7, s6;
	s5 =	sshrl.u32 s21, $0x1;
	[dreg:$0x11] =	wrdreg s25  }
0x11: {  	[dreg:$0x12] =	wrdreg s26;
	s15 =	simm.s32 $0x9900;
	s16 =	simm.s32 $0xA100  }
0x12: {  	s17 =	simm.s32 $0xA900;
	s18 =	simm.s32 $0xB100;
	s19 =	simm.s32 $0xB900  }
0x13: {  	s20 =	simm.s32 $0xC100;
	s22 =	simm.s32 $0xD100;
	s23 =	simm.s32 $0xD900  }
0x14: {  	s24 =	simm.s32 $0xE100;
	s25 =	simm.s32 $0xE900;
	s26 =	simm.s32 $0xF100  }
0x15: {  	s7 =	sshrl.u32 s6, $0x3;
	s8 =	sor.u32 $0x80, s6;
	s6 =	sshll.u32 s6, $0x5  }
0x16: {  	s7 =	sadd.s32 s0, s7;
	s9 =	sshrl.u32 s8, $0x3;
	s12 =	sadd.s32 s4, s6  }
0x17: {  	s13 =	sshll.u32 s8, $0x5;
	s6 =	simm.s32 $0x100;
	[dreg:$0x4] =	wrdreg s7  }
0x18: {  	s8 =	simm.s32 $0x6100;
	s0 =	sadd.s32 s0, s9;
	[dreg:$0x6] =	wrdreg s12  }
0x19: {  	s14 =	sadd.s32 s4, s13;
	s4 =	ssub.s32 s21, s5;
	s5 =	simm.s32 $0x5  }
0x1a: {  	v2 =	vlaneseq.u32;
	s9 =	simm.s32 $0x6900;
	s12 =	simm.s32 $0x8100;
	[dreg:$0x5] =	wrdreg s0  }
0x1b: {  	vm0 =	vmmov $0xffff;
	v1 =	vshrl.u32 v2, $0x3;
	s13 =	simm.s32 $0x8900;
	s21 =	simm.s32 $0xC900;
	[dreg:$0x7] =	wrdreg s14  }
0x1c: {  	v0 =	vand.u32 $0x7, v2;
	v2 =	vor.u32 $0x8, v2;
	v1 =	vmul.u32 $0x8, v1;
	s4 =	smax.u32 s4, $0x1;
	s14 =	simm.s32 $0x9100;
	s0 =	simm.s32 $0x4  }
.LBB2_1:
0x1d: {  	s2 =	rddreg [dreg:$0x4]  }
0x1e: {  	[tilespmem:s3], [sflag:$0x5] =	stream.linear.gather [hbm4b:s2+s3], $0x80, $0x38;
	[tilespmem:$0x10100] =	vst v63  }
0x1f: {  	_ =	swait.ge [sflag:s5], $0x80  }
0x20: {  	s2 =	rddreg [dreg:$0x5];
	[sflag:s5] =	ssyncset.done $0x0  }
0x21: {  	s7 =	rddreg [dreg:$0x8];
	[sflag:s5] =	ssyncadd.s32 $0xFFFFFF80  }
0x22: {  	[tilespmem:s7], [sflag:$0x5] =	stream.linear.gather [hbm4b:s2+s3], $0x80, $0x38;
	[tilespmem:$0x10100] =	vst v63  }
0x23: {  	_ =	swait.ge [sflag:s5], $0x80  }
0x24: {  	[sflag:s5] =	ssyncset.done $0x0  }
0x25: {  	[sflag:s5] =	ssyncadd.s32 $0xFFFFFF80  }
0x26: {  	v3 =	vld [tilespmem:$0x0];
	_ =	sdelay $0x4  }
0x27: {  	v4 =	vshll.u32 v3, $0x1  }
0x28: {  	v3 =	vand.u32 $0x7, v3;
	v4 =	vand.u32 $0xFFFFFFF0, v4  }
0x29: {  	v3 =	vor.u32 v3, v4  }
0x2a: {  	v4 =	vperm.xlane v3, v0;
	_ =	sdelay $0x1  }
0x2b: {  	v3 =	vperm.xlane v3, v2;
	v4 =	vadd.s32 v1, v4;
	_ =	sdelay $0x1  }
0x2c: {  	v3 =	vadd.s32 v1, v3;
	_ =	sdelay $0x2  }
0x2d: {  	[tilespmem:s6], [sflag:$0x1] =	stream.indirect_vreg.gather [hbm4b:s1+s3], $0x80, v4, vm0, $0xb8;
	[tilespmem:$0x10100] =	vst v63  }
0x2e: {  	s7 =	rddreg [dreg:$0x9]  }
0x2f: {  	[tilespmem:s7], [sflag:$0x1] =	stream.indirect_vreg.gather [hbm4b:s1+s3], $0x80, v3, vm0, $0xb8;
	[tilespmem:$0x10100] =	vst v63  }
0x30: {  	v3 =	vld [tilespmem:$0x10];
	_ =	sdelay $0x4  }
0x31: {  	v49 =	vshll.u32 v3, $0x1  }
0x32: {  	v3 =	vand.u32 $0x7, v3;
	v4 =	vand.u32 $0xFFFFFFF0, v49  }
0x33: {  	v3 =	vor.u32 v3, v4  }
0x34: {  	v4 =	vperm.xlane v3, v0;
	_ =	sdelay $0x1  }
0x35: {  	v3 =	vperm.xlane v3, v2;
	v4 =	vadd.s32 v1, v4;
	_ =	sdelay $0x1  }
0x36: {  	v3 =	vadd.s32 v1, v3;
	_ =	sdelay $0x1  }
0x37: {  	s2 =	rddreg [dreg:$0xa]  }
0x38: {  	[tilespmem:s2], [sflag:$0x1] =	stream.indirect_vreg.gather [hbm4b:s1+s3], $0x80, v4, vm0, $0xb8;
	[tilespmem:$0x10100] =	vst v63  }
0x39: {  	s7 =	rddreg [dreg:$0xb]  }
0x3a: {  	[tilespmem:s7], [sflag:$0x1] =	stream.indirect_vreg.gather [hbm4b:s1+s3], $0x80, v3, vm0, $0xb8;
	[tilespmem:$0x10100] =	vst v63  }
0x3b: {  	v3 =	vld [tilespmem:$0x20];
	_ =	sdelay $0x4  }
0x3c: {  	v50 =	vshll.u32 v3, $0x1  }
0x3d: {  	v3 =	vand.u32 $0x7, v3;
	v4 =	vand.u32 $0xFFFFFFF0, v50  }
0x3e: {  	v3 =	vor.u32 v3, v4  }
0x3f: {  	v4 =	vperm.xlane v3, v0;
	_ =	sdelay $0x1  }
0x40: {  	v3 =	vperm.xlane v3, v2;
	v4 =	vadd.s32 v1, v4;
	_ =	sdelay $0x1  }
0x41: {  	v3 =	vadd.s32 v1, v3;
	_ =	sdelay $0x1  }
0x42: {  	s2 =	rddreg [dreg:$0xc]  }
0x43: {  	[tilespmem:s2], [sflag:$0x1] =	stream.indirect_vreg.gather [hbm4b:s1+s3], $0x80, v4, vm0, $0xb8;
	[tilespmem:$0x10100] =	vst v63  }
0x44: {  	s7 =	rddreg [dreg:$0xd]  }
0x45: {  	[tilespmem:s7], [sflag:$0x1] =	stream.indirect_vreg.gather [hbm4b:s1+s3], $0x80, v3, vm0, $0xb8;
	[tilespmem:$0x10100] =	vst v63  }
0x46: {  	v3 =	vld [tilespmem:$0x30];
	_ =	sdelay $0x4  }
0x47: {  	v51 =	vshll.u32 v3, $0x1  }
0x48: {  	v3 =	vand.u32 $0x7, v3;
	v4 =	vand.u32 $0xFFFFFFF0, v51  }
0x49: {  	v3 =	vor.u32 v3, v4  }
0x4a: {  	v4 =	vperm.xlane v3, v0;
	_ =	sdelay $0x1  }
0x4b: {  	v3 =	vperm.xlane v3, v2;
	v4 =	vadd.s32 v1, v4;
	_ =	sdelay $0x1  }
0x4c: {  	v3 =	vadd.s32 v1, v3;
	_ =	sdelay $0x1  }
0x4d: {  	s2 =	rddreg [dreg:$0xe]  }
0x4e: {  	[tilespmem:s2], [sflag:$0x1] =	stream.indirect_vreg.gather [hbm4b:s1+s3], $0x80, v4, vm0, $0xb8;
	[tilespmem:$0x10100] =	vst v63  }
0x4f: {  	s7 =	rddreg [dreg:$0xf]  }
0x50: {  	[tilespmem:s7], [sflag:$0x1] =	stream.indirect_vreg.gather [hbm4b:s1+s3], $0x80, v3, vm0, $0xb8;
	[tilespmem:$0x10100] =	vst v63  }
0x51: {  	v3 =	vld [tilespmem:$0x40];
	_ =	sdelay $0x4  }
0x52: {  	v52 =	vshll.u32 v3, $0x1  }
0x53: {  	v3 =	vand.u32 $0x7, v3;
	v4 =	vand.u32 $0xFFFFFFF0, v52  }
0x54: {  	v3 =	vor.u32 v3, v4  }
0x55: {  	v4 =	vperm.xlane v3, v0;
	_ =	sdelay $0x1  }
0x56: {  	v3 =	vperm.xlane v3, v2;
	v4 =	vadd.s32 v1, v4;
	_ =	sdelay $0x1  }
0x57: {  	v3 =	vadd.s32 v1, v3;
	_ =	sdelay $0x1  }
0x58: {  	s2 =	rddreg [dreg:$0x10]  }
0x59: {  	[tilespmem:s2], [sflag:$0x1] =	stream.indirect_vreg.gather [hbm4b:s1+s3], $0x80, v4, vm0, $0xb8;
	[tilespmem:$0x10100] =	vst v63  }
0x5a: {  	s7 =	rddreg [dreg:$0x11]  }
0x5b: {  	[tilespmem:s7], [sflag:$0x1] =	stream.indirect_vreg.gather [hbm4b:s1+s3], $0x80, v3, vm0, $0xb8;
	[tilespmem:$0x10100] =	vst v63  }
0x5c: {  	v3 =	vld [tilespmem:$0x50];
	_ =	sdelay $0x4  }
0x5d: {  	v53 =	vshll.u32 v3, $0x1  }
0x5e: {  	v3 =	vand.u32 $0x7, v3;
	v4 =	vand.u32 $0xFFFFFFF0, v53  }
0x5f: {  	v3 =	vor.u32 v3, v4  }
0x60: {  	v4 =	vperm.xlane v3, v0;
	_ =	sdelay $0x1  }
0x61: {  	v3 =	vperm.xlane v3, v2;
	v4 =	vadd.s32 v1, v4;
	_ =	sdelay $0x1  }
0x62: {  	v3 =	vadd.s32 v1, v3;
	_ =	sdelay $0x1  }
0x63: {  	s7 =	rddreg [dreg:$0x12]  }
0x64: {  	[tilespmem:s7], [sflag:$0x1] =	stream.indirect_vreg.gather [hbm4b:s1+s3], $0x80, v4, vm0, $0xb8;
	[tilespmem:$0x10100] =	vst v63  }
0x65: {  	s7 =	simm.s32 $0x5900  }
0x66: {  	[tilespmem:s7], [sflag:$0x1] =	stream.indirect_vreg.gather [hbm4b:s1+s3], $0x80, v3, vm0, $0xb8;
	[tilespmem:$0x10100] =	vst v63  }
0x67: {  	v3 =	vld [tilespmem:$0x60];
	_ =	sdelay $0x4  }
0x68: {  	v54 =	vshll.u32 v3, $0x1  }
0x69: {  	v3 =	vand.u32 $0x7, v3;
	v4 =	vand.u32 $0xFFFFFFF0, v54  }
0x6a: {  	v3 =	vor.u32 v3, v4  }
0x6b: {  	v4 =	vperm.xlane v3, v0;
	_ =	sdelay $0x1  }
0x6c: {  	v3 =	vperm.xlane v3, v2;
	v4 =	vadd.s32 v1, v4;
	_ =	sdelay $0x1  }
0x6d: {  	v3 =	vadd.s32 v1, v3;
	_ =	sdelay $0x2  }
0x6e: {  	[tilespmem:s8], [sflag:$0x1] =	stream.indirect_vreg.gather [hbm4b:s1+s3], $0x80, v4, vm0, $0xb8;
	[tilespmem:$0x10100] =	vst v63  }
0x6f: {  	_ = 	snop  }
0x70: {  	[tilespmem:s9], [sflag:$0x1] =	stream.indirect_vreg.gather [hbm4b:s1+s3], $0x80, v3, vm0, $0xb8;
	[tilespmem:$0x10100] =	vst v63  }
0x71: {  	v3 =	vld [tilespmem:$0x70];
	_ =	sdelay $0x4  }
0x72: {  	v55 =	vshll.u32 v3, $0x1  }
0x73: {  	v3 =	vand.u32 $0x7, v3;
	v4 =	vand.u32 $0xFFFFFFF0, v55  }
0x74: {  	v3 =	vor.u32 v3, v4  }
0x75: {  	v4 =	vperm.xlane v3, v0;
	_ =	sdelay $0x1  }
0x76: {  	v3 =	vperm.xlane v3, v2;
	v4 =	vadd.s32 v1, v4;
	_ =	sdelay $0x1  }
0x77: {  	v3 =	vadd.s32 v1, v3;
	_ =	sdelay $0x2  }
0x78: {  	[tilespmem:s10], [sflag:$0x1] =	stream.indirect_vreg.gather [hbm4b:s1+s3], $0x80, v4, vm0, $0xb8;
	[tilespmem:$0x10100] =	vst v63  }
0x79: {  	_ = 	snop  }
0x7a: {  	[tilespmem:s11], [sflag:$0x1] =	stream.indirect_vreg.gather [hbm4b:s1+s3], $0x80, v3, vm0, $0xb8;
	[tilespmem:$0x10100] =	vst v63  }
0x7b: {  	v3 =	vld [tilespmem:$0x80];
	_ =	sdelay $0x4  }
0x7c: {  	v56 =	vshll.u32 v3, $0x1  }
0x7d: {  	v3 =	vand.u32 $0x7, v3;
	v4 =	vand.u32 $0xFFFFFFF0, v56  }
0x7e: {  	v3 =	vor.u32 v3, v4  }
0x7f: {  	v4 =	vperm.xlane v3, v0;
	_ =	sdelay $0x1  }
0x80: {  	v3 =	vperm.xlane v3, v2;
	v4 =	vadd.s32 v1, v4;
	_ =	sdelay $0x1  }
0x81: {  	v3 =	vadd.s32 v1, v3;
	_ =	sdelay $0x2  }
0x82: {  	[tilespmem:s12], [sflag:$0x2] =	stream.indirect_vreg.gather [hbm4b:s1+s3], $0x80, v4, vm0, $0xb8;
	[tilespmem:$0x10100] =	vst v63  }
0x83: {  	_ = 	snop  }
0x84: {  	[tilespmem:s13], [sflag:$0x2] =	stream.indirect_vreg.gather [hbm4b:s1+s3], $0x80, v3, vm0, $0xb8;
	[tilespmem:$0x10100] =	vst v63  }
0x85: {  	v3 =	vld [tilespmem:$0x90];
	_ =	sdelay $0x4  }
0x86: {  	v57 =	vshll.u32 v3, $0x1  }
0x87: {  	v3 =	vand.u32 $0x7, v3;
	v4 =	vand.u32 $0xFFFFFFF0, v57  }
0x88: {  	v3 =	vor.u32 v3, v4  }
0x89: {  	v4 =	vperm.xlane v3, v0;
	_ =	sdelay $0x1  }
0x8a: {  	v3 =	vperm.xlane v3, v2;
	v4 =	vadd.s32 v1, v4;
	_ =	sdelay $0x1  }
0x8b: {  	v3 =	vadd.s32 v1, v3;
	_ =	sdelay $0x2  }
0x8c: {  	[tilespmem:s14], [sflag:$0x2] =	stream.indirect_vreg.gather [hbm4b:s1+s3], $0x80, v4, vm0, $0xb8;
	[tilespmem:$0x10100] =	vst v63  }
0x8d: {  	_ = 	snop  }
0x8e: {  	[tilespmem:s15], [sflag:$0x2] =	stream.indirect_vreg.gather [hbm4b:s1+s3], $0x80, v3, vm0, $0xb8;
	[tilespmem:$0x10100] =	vst v63  }
0x8f: {  	v3 =	vld [tilespmem:$0xA0];
	_ =	sdelay $0x4  }
0x90: {  	v58 =	vshll.u32 v3, $0x1  }
0x91: {  	v3 =	vand.u32 $0x7, v3;
	v4 =	vand.u32 $0xFFFFFFF0, v58  }
0x92: {  	v3 =	vor.u32 v3, v4  }
0x93: {  	v4 =	vperm.xlane v3, v0;
	_ =	sdelay $0x1  }
0x94: {  	v3 =	vperm.xlane v3, v2;
	v4 =	vadd.s32 v1, v4;
	_ =	sdelay $0x1  }
0x95: {  	v3 =	vadd.s32 v1, v3;
	_ =	sdelay $0x2  }
0x96: {  	[tilespmem:s16], [sflag:$0x2] =	stream.indirect_vreg.gather [hbm4b:s1+s3], $0x80, v4, vm0, $0xb8;
	[tilespmem:$0x10100] =	vst v63  }
0x97: {  	_ = 	snop  }
0x98: {  	[tilespmem:s17], [sflag:$0x2] =	stream.indirect_vreg.gather [hbm4b:s1+s3], $0x80, v3, vm0, $0xb8;
	[tilespmem:$0x10100] =	vst v63  }
0x99: {  	v3 =	vld [tilespmem:$0xB0];
	_ =	sdelay $0x4  }
0x9a: {  	v59 =	vshll.u32 v3, $0x1  }
0x9b: {  	v3 =	vand.u32 $0x7, v3;
	v4 =	vand.u32 $0xFFFFFFF0, v59  }
0x9c: {  	v3 =	vor.u32 v3, v4  }
0x9d: {  	v4 =	vperm.xlane v3, v0;
	_ =	sdelay $0x1  }
0x9e: {  	v3 =	vperm.xlane v3, v2;
	v4 =	vadd.s32 v1, v4;
	_ =	sdelay $0x1  }
0x9f: {  	v3 =	vadd.s32 v1, v3;
	_ =	sdelay $0x2  }
0xa0: {  	[tilespmem:s18], [sflag:$0x2] =	stream.indirect_vreg.gather [hbm4b:s1+s3], $0x80, v4, vm0, $0xb8;
	[tilespmem:$0x10100] =	vst v63  }
0xa1: {  	_ = 	snop  }
0xa2: {  	[tilespmem:s19], [sflag:$0x2] =	stream.indirect_vreg.gather [hbm4b:s1+s3], $0x80, v3, vm0, $0xb8;
	[tilespmem:$0x10100] =	vst v63  }
0xa3: {  	v3 =	vld [tilespmem:$0xC0];
	_ =	sdelay $0x4  }
0xa4: {  	v60 =	vshll.u32 v3, $0x1  }
0xa5: {  	v3 =	vand.u32 $0x7, v3;
	v4 =	vand.u32 $0xFFFFFFF0, v60  }
0xa6: {  	v3 =	vor.u32 v3, v4  }
0xa7: {  	v4 =	vperm.xlane v3, v0;
	_ =	sdelay $0x1  }
0xa8: {  	v3 =	vperm.xlane v3, v2;
	v4 =	vadd.s32 v1, v4;
	_ =	sdelay $0x1  }
0xa9: {  	v3 =	vadd.s32 v1, v3;
	_ =	sdelay $0x2  }
0xaa: {  	[tilespmem:s20], [sflag:$0x2] =	stream.indirect_vreg.gather [hbm4b:s1+s3], $0x80, v4, vm0, $0xb8;
	[tilespmem:$0x10100] =	vst v63  }
0xab: {  	_ = 	snop  }
0xac: {  	[tilespmem:s21], [sflag:$0x2] =	stream.indirect_vreg.gather [hbm4b:s1+s3], $0x80, v3, vm0, $0xb8;
	[tilespmem:$0x10100] =	vst v63  }
0xad: {  	v3 =	vld [tilespmem:$0xD0];
	_ =	sdelay $0x4  }
0xae: {  	v61 =	vshll.u32 v3, $0x1  }
0xaf: {  	v3 =	vand.u32 $0x7, v3;
	v4 =	vand.u32 $0xFFFFFFF0, v61  }
0xb0: {  	v3 =	vor.u32 v3, v4  }
0xb1: {  	v4 =	vperm.xlane v3, v0;
	_ =	sdelay $0x1  }
0xb2: {  	v3 =	vperm.xlane v3, v2;
	v4 =	vadd.s32 v1, v4;
	_ =	sdelay $0x1  }
0xb3: {  	v3 =	vadd.s32 v1, v3;
	_ =	sdelay $0x2  }
0xb4: {  	[tilespmem:s22], [sflag:$0x2] =	stream.indirect_vreg.gather [hbm4b:s1+s3], $0x80, v4, vm0, $0xb8;
	[tilespmem:$0x10100] =	vst v63  }
0xb5: {  	_ = 	snop  }
0xb6: {  	[tilespmem:s23], [sflag:$0x2] =	stream.indirect_vreg.gather [hbm4b:s1+s3], $0x80, v3, vm0, $0xb8;
	[tilespmem:$0x10100] =	vst v63  }
0xb7: {  	v3 =	vld [tilespmem:$0xE0];
	_ =	sdelay $0x4  }
0xb8: {  	v62 =	vshll.u32 v3, $0x1  }
0xb9: {  	v3 =	vand.u32 $0x7, v3;
	v4 =	vand.u32 $0xFFFFFFF0, v62  }
0xba: {  	v3 =	vor.u32 v3, v4  }
0xbb: {  	v4 =	vperm.xlane v3, v0;
	_ =	sdelay $0x1  }
0xbc: {  	v3 =	vperm.xlane v3, v2;
	v4 =	vadd.s32 v1, v4;
	_ =	sdelay $0x1  }
0xbd: {  	v3 =	vadd.s32 v1, v3;
	_ =	sdelay $0x2  }
0xbe: {  	[tilespmem:s24], [sflag:$0x2] =	stream.indirect_vreg.gather [hbm4b:s1+s3], $0x80, v4, vm0, $0xb8;
	[tilespmem:$0x10100] =	vst v63  }
0xbf: {  	_ = 	snop  }
0xc0: {  	[tilespmem:s25], [sflag:$0x2] =	stream.indirect_vreg.gather [hbm4b:s1+s3], $0x80, v3, vm0, $0xb8;
	[tilespmem:$0x10100] =	vst v63  }
0xc1: {  	v3 =	vld [tilespmem:$0xF0];
	_ =	sdelay $0x4  }
0xc2: {  	v63 =	vshll.u32 v3, $0x1  }
0xc3: {  	v3 =	vand.u32 $0x7, v3;
	v4 =	vand.u32 $0xFFFFFFF0, v63  }
0xc4: {  	v3 =	vor.u32 v3, v4  }
0xc5: {  	v4 =	vperm.xlane v3, v0;
	_ =	sdelay $0x1  }
0xc6: {  	v3 =	vperm.xlane v3, v2;
	v4 =	vadd.s32 v1, v4;
	_ =	sdelay $0x1  }
0xc7: {  	v3 =	vadd.s32 v1, v3;
	_ =	sdelay $0x2  }
0xc8: {  	[tilespmem:s26], [sflag:$0x2] =	stream.indirect_vreg.gather [hbm4b:s1+s3], $0x80, v4, vm0, $0xb8;
	[tilespmem:$0x10100] =	vst v63  }
0xc9: {  	_ = 	snop  }
0xca: {  	[tilespmem:s28], [sflag:$0x2] =	stream.indirect_vreg.gather [hbm4b:s1+s3], $0x80, v3, vm0, $0xb8;
	[tilespmem:$0x10100] =	vst v63  }
0xcb: {  	_ =	swait.ge [sflag:s29], $0x8000  }
0xcc: {  	[sflag:s29] =	ssyncset.done $0x0  }
0xcd: {  	s7 =	rddreg [dreg:$0x6];
	[sflag:s29] =	ssyncadd.s32 $0xFFFF8000  }
0xce: {  	[hbm4b:s7+s3] =	stream.linear.scatter [tilespmem:s6], [sflag:$0x3], $0x8000, $0x38;
	[tilespmem:$0x10100] =	vst v63  }
0xcf: {  	_ =	swait.ge [sflag:s30], $0x8000  }
0xd0: {  	[sflag:s30] =	ssyncset.done $0x0  }
0xd1: {  	s7 =	rddreg [dreg:$0x7];
	[sflag:s30] =	ssyncadd.s32 $0xFFFF8000  }
0xd2: {  	[hbm4b:s7+s3] =	stream.linear.scatter [tilespmem:s12], [sflag:$0x4], $0x8000, $0x38;
	[tilespmem:$0x10100] =	vst v63  }
0xd3: {  	p0 =	sne.s32 s4, $0x1;
	_ =	swait.ge [sflag:s31], $0x8000  }
.Ltmp0:
0xd4: {  	[sflag:s31] =	ssyncset.done $0x0;
	(pc) =	sbr.rel @p0 .LBB2_1-.Ltmp0, $4  }
0xd5: {  	[sflag:s31] =	ssyncadd.s32 $0xFFFF8000  }
0xd6: {  	_ =	swait.ge [sflag:s0], $0x8000  }
0xd7: {  	[sflag:s0] =	ssyncset.done $0x0  }
0xd8: {  	s4 =	sadd.s32 $0xFFFFFFFF, s4;
	[sflag:s0] =	ssyncadd.s32 $0xFFFF8000  }
0xd9: {  	_ =	sfence.sel $0x180000  }
0xda: {  	[bflag:$0x0] =	sbarrier.arrive $0xFFFF  }
0xdb: {  	_ =	strace $0x90000047  }
0xdc: {  	s0 =	stileid.u32;
	[bflag:$0x2] =	sbarrier.arrive $0xFFFF  }
0xdd: {  	p0 =	sne.s32 s0, $0x0;
	s0 =	rddreg [dreg:$0x3]  }
0xde: {  	s0 =	sadd.s32 @!p0 $0x100000, s0  }
0xdf: {  	[sflag:s0] =	ssyncadd.tile.s32 @!p0 $0x1;
	_ =	shalt  }
.Lfunc_end2:
_tile_overlayer_lowered:
.L_overlay_start_2:
0xe0: {  	(tag) =	ssettag $0x2  }
0xe1: {  	s0 =	rddreg [dreg:$0x0];
	s2 =	stileid.u32  }
0xe2: {  	s1 =	rddreg [dreg:$0x1];
	p0 =	sne.s32 s2, $0x0  }
0xe3: {  	s3 =	rddreg [dreg:$0x2];
	[bflag:$0x3] =	sbarrier.arrive $0xFFFF;
	s2 =	simm.s32 @!p0 $0x1C05  }
0xe4: {  	[timem:s3], [sflag:s2] =	dma.local @!p0 [hbm:s0], s1  }
0xe5: {  	s0 =	simm.s32 @!p0 $0x5  }
0xe6: {  	_ =	swait.ge @!p0 [sflag:s0], s1  }
0xe7: {  	s1 =	ssub.s32 @!p0 $0x0, s1;
	[sflag:s0] =	ssyncset.done @!p0 $0x0  }
0xe8: {  	[sflag:s0] =	ssyncadd.s32 @!p0 s1  }
0xe9: {  	[bflag:$0x3] =	sbarrier.arrive $0xFFFF  }
0xea: {  	_ =	shalt  }

</sc_bundles>
